<compile_context>
chip_gen: v7x
topology: tpu7x:2x2x1
jax: 0.10.2.dev20260603
libtpu: 0.0.44.dev20260713+nightly
codegen_flags: <defaults>
</compile_context>

<pallas_src>
import functools

import jax
import jax.numpy as jnp
from jax import lax
from jax.experimental import pallas as pl
from jax.experimental.pallas import tpu as pltpu
from jax.experimental.pallas import tpu_sc as plsc

B, L, D = 4096, 200, 64
N = B * L
NC, NS = 2, 16
NW = NC * NS
W = N // NW
C = 512
KJ = C // 128
P = W // (2 * C)
NT = 3
PVS = [1320, 2280, 2040]

IDXP_B = NT * 2 * KJ * 128 * 4
T0_B = KJ * 128 * D * 4
ADD_B = (NT - 1) * T0_B
OUT_B = C * D * 4


def _tc_pack_indices(target, dhi, dni, ws, rh, t):

    def body(tg_ref, dh_ref, dn_ref, ws_ref, rh_ref, tt_ref, o_ref):
        w = pl.program_id(0)
        o_ref[0] = tg_ref[...] * 13 + tt_ref[...] + w * PVS[0]
        o_ref[1] = rh_ref[...] * 24 + ws_ref[...] + w * PVS[1]
        o_ref[2] = dh_ref[...] * 37 + dn_ref[...] + w * PVS[2]

    bs = pl.BlockSpec((B // NW, L), lambda i: (i, 0))
    return pl.pallas_call(
        body,
        grid=(NW,),
        in_specs=[bs] * 6,
        out_specs=pl.BlockSpec((NT, B // NW, L), lambda i: (0, i, 0)),
        out_shape=jax.ShapeDtypeStruct((NT, B, L), jnp.int32),
    )(target, dhi, dni, ws, rh, t)


def _one_hot_rows(n_rows, va, vb):
    r = lax.broadcasted_iota(jnp.int32, (n_rows, 1), 0)
    oa = (r // vb == lax.broadcasted_iota(jnp.int32, (n_rows, va), 1))
    ob = (r % vb == lax.broadcasted_iota(jnp.int32, (n_rows, vb), 1))
    return oa.astype(jnp.float32), ob.astype(jnp.float32)


def _tc_build_tables(r_table, t_table, rh_table, ws_table, dhi_table,
                     dni_table):

    def body(ra_ref, tt_ref, rh_ref, ws_ref, dh_ref, dn_ref,
             oa_ref, ob_ref, oc_ref):
        def pair(a_ref, b_ref, n_rows, va, vb):
            oa, ob = _one_hot_rows(n_rows, va, vb)
            hi = lax.Precision.HIGHEST
            return (jnp.dot(oa, a_ref[...], precision=hi,
                            preferred_element_type=jnp.float32)
                    + jnp.dot(ob, b_ref[...], precision=hi,
                              preferred_element_type=jnp.float32))

        oa_ref[...] = pair(ra_ref, tt_ref, PVS[0], 101, 13)
        ob_ref[...] = pair(rh_ref, ws_ref, PVS[1], 95, 24)
        oc_ref[...] = pair(dh_ref, dn_ref, PVS[2], 55, 37)

    full = lambda s: pl.BlockSpec(s, lambda i: (0, 0))
    return pl.pallas_call(
        body,
        grid=(NW,),
        in_specs=[full((101, D)), full((13, D)), full((95, D)),
                  full((24, D)), full((55, D)), full((37, D))],
        out_specs=[pl.BlockSpec((PVS[0], D), lambda i: (i, 0)),
                   pl.BlockSpec((PVS[1], D), lambda i: (i, 0)),
                   pl.BlockSpec((PVS[2], D), lambda i: (i, 0))],
        out_shape=[jax.ShapeDtypeStruct((NW * PVS[0], D), jnp.float32),
                   jax.ShapeDtypeStruct((NW * PVS[1], D), jnp.float32),
                   jax.ShapeDtypeStruct((NW * PVS[2], D), jnp.float32)],
    )(r_table, t_table, rh_table, ws_table, dhi_table, dni_table)


def _sc_embed_sum(idx_packed, tables):
    mesh = plsc.VectorSubcoreMesh(core_axis_name="c", subcore_axis_name="s")

    @functools.partial(
        pl.kernel,
        out_type=jax.ShapeDtypeStruct((N, D), jnp.float32),
        mesh=mesh,
        scratch_types=[
            pltpu.VMEM((2, NT, 2 * KJ, 128), jnp.int32),
            pltpu.VMEM((2, C, D), jnp.float32),
            pltpu.SemaphoreType.DMA,
            pltpu.SemaphoreType.DMA((2,)),
            pltpu.SemaphoreType.DMA((2,)),
            pltpu.SemaphoreType.DMA((2,)),
        ],
        compiler_params=pltpu.CompilerParams(use_tc_tiling_on_sc=False),
    )
    def k(idx_hbm, t0, t1, t2, out_hbm, idx_v, acc, s_idx, s_t0, s_add,
          s_out):
        tabs = [t0, t1, t2]
        wid = lax.axis_index("s") * NC + lax.axis_index("c")

        def fetch_idx(pair_i, slot):
            r0 = pl.multiple_of(wid * (W // 128) + pair_i * 2 * KJ, 8)
            pltpu.async_copy(idx_hbm.at[:, pl.ds(r0, 2 * KJ), :],
                             idx_v.at[slot], s_idx)

        def wait_idx():
            pltpu.make_async_copy(idx_hbm.at[:, pl.ds(0, 2 * KJ), :],
                                  idx_v.at[0], s_idx).wait()

        def issue_t0(slot, h):
            for j in range(KJ):
                pltpu.async_copy(tabs[0].at[idx_v.at[slot, 0, h * KJ + j]],
                                 acc.at[h, pl.ds(j * 128, 128)], s_t0.at[h])

        def issue_adds(slot, h):
            for t in range(1, NT):
                for j in range(KJ):
                    pltpu.async_copy(
                        tabs[t].at[idx_v.at[slot, t, h * KJ + j]],
                        acc.at[h, pl.ds(j * 128, 128)], s_add.at[h],
                        add=True)

        def issue_out(g, h):
            row0 = wid * W + g * C
            pltpu.async_copy(acc.at[h], out_hbm.at[pl.ds(row0, C)],
                             s_out.at[h])

        def wait_t0(h):
            pltpu.make_async_copy(out_hbm.at[pl.ds(0, C)], acc.at[h],
                                  s_t0.at[h]).wait()

        def wait_adds(h):
            for _ in range(NT - 1):
                pltpu.make_async_copy(out_hbm.at[pl.ds(0, C)], acc.at[h],
                                      s_add.at[h]).wait()

        def wait_out(h):
            pltpu.make_async_copy(acc.at[h], out_hbm.at[pl.ds(0, C)],
                                  s_out.at[h]).wait()

        def pair(i, carry):
            a, b = 2 * i, 2 * i + 1
            sp = jnp.bitwise_and(i, 1)
            sq = 1 - sp
            wait_t0(0)
            issue_adds(sp, 0)

            @pl.when(i > 0)
            def _():
                wait_out(1)

            issue_t0(sp, 1)
            wait_adds(0)
            issue_out(a, 0)
            wait_t0(1)
            issue_adds(sp, 1)

            @pl.when(i + 1 < P)
            def _():
                wait_idx()
                wait_out(0)
                issue_t0(sq, 0)

            wait_adds(1)
            issue_out(b, 1)

            @pl.when(i + 2 < P)
            def _():
                fetch_idx(i + 2, sp)

            return carry

        fetch_idx(0, 0)
        wait_idx()
        issue_t0(0, 0)
        fetch_idx(1, 1)
        lax.fori_loop(0, P, pair, 0)
        wait_out(0)
        wait_out(1)

    return k(idx_packed, *tables)


R = 8192


def _tc_layernorm(hm2, esum, gamma, beta):

    def body(hm_ref, e_ref, g_ref, b_ref, o_ref):
        x = hm_ref[...] + e_ref[...]
        mu = jnp.mean(x, axis=1, keepdims=True)
        xc = x - mu
        var = jnp.mean(xc * xc, axis=1, keepdims=True)
        inv = lax.rsqrt(var + 1e-5)
        o_ref[...] = xc * inv * g_ref[...] + b_ref[...]

    return pl.pallas_call(
        body,
        grid=(N // R,),
        in_specs=[
            pl.BlockSpec((R, D), lambda i: (i, 0)),
            pl.BlockSpec((R, D), lambda i: (i, 0)),
            pl.BlockSpec((1, D), lambda i: (0, 0)),
            pl.BlockSpec((1, D), lambda i: (0, 0)),
        ],
        out_specs=pl.BlockSpec((R, D), lambda i: (i, 0)),
        out_shape=jax.ShapeDtypeStruct((N, D), jnp.float32),
    )(hm2, esum, gamma, beta)


def kernel(target, hm, dhi, dni, ws, rh, t, r_table, dhi_table, dni_table,
           ws_table, rh_table, t_table, gamma, beta):
    i32 = lambda a: a.astype(jnp.int32)
    idx_packed = _tc_pack_indices(i32(target), i32(dhi), i32(dni), i32(ws),
                                  i32(rh), i32(t)).reshape(NT, N // 128, 128)
    tables = _tc_build_tables(r_table, t_table, rh_table, ws_table,
                              dhi_table, dni_table)
    esum = _sc_embed_sum(idx_packed, tables)
    out = _tc_layernorm(hm.reshape(N, D), esum, gamma.reshape(1, D),
                        beta.reshape(1, D))
    return out.reshape(B, L, D)

# --- scband reference (transcript-rebuilt; emitter-appended) ---
"""Pipeline reference for scband-decoder-3393024164188 (READ-ONLY COPY).

The authoritative reference and input builder live on the scoring server;
editing this copy changes nothing except your own understanding.
"""

import jax, jax.numpy as jnp
import numpy as np

B, L, D = 4096, 200, 64

def setup_inputs(seed: int = 0) -> dict:
    key = jax.random.key(seed)
    ks = jax.random.split(key, 16)
    inp = {}
    inp['target'] = jax.random.randint(ks[0], (B, L), 0, 101)
    inp['hm'] = jax.random.normal(ks[1], (B, L, D), dtype=jnp.float32)
    inp['dhi'] = jax.random.randint(ks[2], (B, L), 0, 55)
    inp['dni'] = jax.random.randint(ks[3], (B, L), 0, 37)
    inp['ws'] = jax.random.randint(ks[4], (B, L), 0, 24)
    inp['rh'] = jax.random.randint(ks[5], (B, L), 0, 95)
    inp['t'] = jax.random.randint(ks[6], (B, L), 0, 13)
    # learned parameters
    inp['r_table'] = jax.random.normal(ks[7], (101, D), dtype=jnp.float32)
    inp['dhi_table'] = jax.random.normal(ks[8], (55, D), dtype=jnp.float32)
    inp['dni_table'] = jax.random.normal(ks[9], (37, D), dtype=jnp.float32)
    inp['ws_table'] = jax.random.normal(ks[10], (24, D), dtype=jnp.float32)
    inp['rh_table'] = jax.random.normal(ks[11], (95, D), dtype=jnp.float32)
    inp['t_table'] = jax.random.normal(ks[12], (13, D), dtype=jnp.float32)
    inp['gamma'] = jnp.ones((D,), dtype=jnp.float32)
    inp['beta'] = jnp.zeros((D,), dtype=jnp.float32)
    return inp

def reference(target, hm, dhi, dni, ws, rh, t, r_table, dhi_table, dni_table, ws_table, rh_table, t_table, gamma, beta):
    te = jnp.take(r_table, target, axis=0)
    de = jnp.take(dhi_table, dhi, axis=0)
    ne = jnp.take(dni_table, dni, axis=0)
    we = jnp.take(ws_table, ws, axis=0)
    re = jnp.take(rh_table, rh, axis=0)
    tte = jnp.take(t_table, t, axis=0)
    x = te + hm + de + ne + we + re + tte
    mu = jnp.mean(x, axis=-1, keepdims=True)
    var = jnp.mean((x - mu) ** 2, axis=-1, keepdims=True)
    xn = (x - mu) / jnp.sqrt(var + 1e-5)
    # dropout is identity at inference
    return xn * gamma + beta

if __name__ == "__main__":
    import jax
    _d = setup_inputs()
    print(jax.jit(kernel)(*tuple(_d.values())))

</pallas_src>

<mosaic_0001>
#map = affine_map<(d0, d1) -> (0, 0, 0)>
#map1 = affine_map<(d0, d1) -> (0, 0)>
module attributes {stable_mosaic.version = 14 : i64} {
  func.func @k(%arg0: i32, %arg1: i32, %arg2: memref<3x6400x128xi32, #tpu.memory_space<hbm>>, %arg3: memref<42240x64xf32, #tpu.memory_space<hbm>>, %arg4: memref<72960x64xf32, #tpu.memory_space<hbm>>, %arg5: memref<65280x64xf32, #tpu.memory_space<hbm>>, %arg6: memref<819200x64xf32, #tpu.memory_space<hbm>>, %arg7: memref<2x3x8x128xi32, #tpu.memory_space<vmem>>, %arg8: memref<2x512x64xf32, #tpu.memory_space<vmem>>, %arg9: memref<!tpu.dma_semaphore, #tpu.memory_space<semaphore_mem>>, %arg10: memref<2x!tpu.dma_semaphore, #tpu.memory_space<semaphore_mem>>, %arg11: memref<2x!tpu.dma_semaphore, #tpu.memory_space<semaphore_mem>>, %arg12: memref<2x!tpu.dma_semaphore, #tpu.memory_space<semaphore_mem>>) attributes {dimension_semantics = [#tpu.dimension_semantics<core_parallel>, #tpu.dimension_semantics<subcore_parallel>], iteration_bounds = array<i64: 2, 16>, scalar_prefetch = 0 : i64, scratch_operands = 6 : i64, tpu.core_type = #tpu.core_type<sc_vector_subcore>, window_params = [{transform_indices = #map}, {transform_indices = #map1}, {transform_indices = #map1}, {transform_indices = #map1}, {transform_indices = #map1}]} {
    %mul3A = arith.constant 2 : i32
    %mul3A_0 = arith.muli %arg1, %mul3A : i32
    %add3A = arith.addi %mul3A_0, %arg0 : i32
    %mul3A_1 = arith.constant 200 : i32
    %mul3A_2 = arith.muli %add3A, %mul3A_1 : i32
    %add3A_3 = arith.constant 0 : i32
    %add3A_4 = arith.addi %mul3A_2, %add3A_3 : i32
    %multiple_of3A = tpu.assume_multiple %add3A_4, 8 : i32
    %dma_start3A = arith.constant 0 : i32
    %dma_start3A_5 = arith.constant 0 : i32
    %dma_start3A_6 = arith.constant 0 : i32
    %dma_start3A_7 = arith.constant 0 : i32
    %dma_start3A_8 = tpu.memref_slice %arg7[%dma_start3A, %dma_start3A_5, %dma_start3A_6, %dma_start3A_7] : memref<2x3x8x128xi32, #tpu.memory_space<vmem>> -> memref<1x3x8x128xi32, #tpu.memory_space<vmem>>
    %dma_start3A_9 = tpu.memref_squeeze %dma_start3A_8 : memref<1x3x8x128xi32, #tpu.memory_space<vmem>> -> memref<3x8x128xi32, #tpu.memory_space<vmem>>
    %dma_start3A_10 = arith.constant 0 : i32
    %dma_start3A_11 = arith.constant 0 : i32
    %dma_start3A_12 = tpu.memref_slice %arg2[%dma_start3A_10, %multiple_of3A, %dma_start3A_11] : memref<3x6400x128xi32, #tpu.memory_space<hbm>> -> memref<3x8x128xi32, #tpu.memory_space<hbm>>
    %dma_start3A_13 = arith.constant 0 : i32
    %dma_start3A_14 = arith.constant 0 : i32
    %dma_start3A_15 = arith.constant 0 : i32
    %dma_start3A_16 = tpu.memref_slice %arg7[%dma_start3A, %dma_start3A_13, %dma_start3A_14, %dma_start3A_15] : memref<2x3x8x128xi32, #tpu.memory_space<vmem>> -> memref<1x3x8x128xi32, #tpu.memory_space<vmem>>
    %dma_start3A_17 = tpu.memref_squeeze %dma_start3A_16 : memref<1x3x8x128xi32, #tpu.memory_space<vmem>> -> memref<3x8x128xi32, #tpu.memory_space<vmem>>
    %dma_start3A_18 = arith.constant 0 : i32
    %dma_start3A_19 = arith.constant 0 : i32
    %dma_start3A_20 = tpu.memref_slice %arg2[%dma_start3A_18, %multiple_of3A, %dma_start3A_19] : memref<3x6400x128xi32, #tpu.memory_space<hbm>> -> memref<3x8x128xi32, #tpu.memory_space<hbm>>
    tpu.enqueue_dma source(%dma_start3A_20 : memref<3x8x128xi32, #tpu.memory_space<hbm>>) target(%dma_start3A_17 : memref<3x8x128xi32, #tpu.memory_space<vmem>>) target_semaphore(%arg9 : memref<!tpu.dma_semaphore, #tpu.memory_space<semaphore_mem>>)
    %dma_wait3A = arith.constant 0 : i32
    %dma_wait3A_21 = arith.constant 0 : i32
    %dma_wait3A_22 = arith.constant 0 : i32
    %dma_wait3A_23 = arith.constant 0 : i32
    %dma_wait3A_24 = tpu.memref_slice %arg7[%dma_wait3A, %dma_wait3A_21, %dma_wait3A_22, %dma_wait3A_23] : memref<2x3x8x128xi32, #tpu.memory_space<vmem>> -> memref<1x3x8x128xi32, #tpu.memory_space<vmem>>
    %dma_wait3A_25 = tpu.memref_squeeze %dma_wait3A_24 : memref<1x3x8x128xi32, #tpu.memory_space<vmem>> -> memref<3x8x128xi32, #tpu.memory_space<vmem>>
    %dma_wait3A_26 = arith.constant 0 : i32
    %dma_wait3A_27 = arith.constant 0 : i32
    %dma_wait3A_28 = arith.constant 0 : i32
    %dma_wait3A_29 = tpu.memref_slice %arg2[%dma_wait3A_26, %dma_wait3A_27, %dma_wait3A_28] : memref<3x6400x128xi32, #tpu.memory_space<hbm>> -> memref<3x8x128xi32, #tpu.memory_space<hbm>>
    %dma_wait3A_30 = arith.constant 0 : i32
    %dma_wait3A_31 = arith.constant 0 : i32
    %dma_wait3A_32 = arith.constant 0 : i32
    %dma_wait3A_33 = tpu.memref_slice %arg7[%dma_wait3A, %dma_wait3A_30, %dma_wait3A_31, %dma_wait3A_32] : memref<2x3x8x128xi32, #tpu.memory_space<vmem>> -> memref<1x3x8x128xi32, #tpu.memory_space<vmem>>
    %dma_wait3A_34 = tpu.memref_squeeze %dma_wait3A_33 : memref<1x3x8x128xi32, #tpu.memory_space<vmem>> -> memref<3x8x128xi32, #tpu.memory_space<vmem>>
    %dma_wait3A_35 = arith.constant 0 : i32
    %dma_wait3A_36 = arith.constant 0 : i32
    %dma_wait3A_37 = arith.constant 0 : i32
    %dma_wait3A_38 = tpu.memref_slice %arg2[%dma_wait3A_35, %dma_wait3A_36, %dma_wait3A_37] : memref<3x6400x128xi32, #tpu.memory_space<hbm>> -> memref<3x8x128xi32, #tpu.memory_space<hbm>>
    tpu.wait_dma2 semaphore(%arg9 : memref<!tpu.dma_semaphore, #tpu.memory_space<semaphore_mem>>) src(%dma_wait3A_38 : memref<3x8x128xi32, #tpu.memory_space<hbm>>) dst(%dma_wait3A_34 : memref<3x8x128xi32, #tpu.memory_space<vmem>>)
    %dma_start3A_39 = arith.constant 0 : i32
    %dma_start3A_40 = arith.constant 0 : i32
    %dma_start3A_41 = arith.constant 0 : i32
    %dma_start3A_42 = arith.constant 0 : i32
    %dma_start3A_43 = arith.constant 0 : i32
    %dma_start3A_44 = arith.constant 0 : i32
    %dma_start3A_45 = arith.constant 0 : i32
    %dma_start3A_46 = tpu.memref_slice %arg8[%dma_start3A_42, %dma_start3A_44, %dma_start3A_45] : memref<2x512x64xf32, #tpu.memory_space<vmem>> -> memref<1x128x64xf32, #tpu.memory_space<vmem>>
    %dma_start3A_47 = tpu.memref_squeeze %dma_start3A_46 : memref<1x128x64xf32, #tpu.memory_space<vmem>> -> memref<128x64xf32, #tpu.memory_space<vmem>>
    %dma_start3A_48 = arith.constant 0 : i32
    %dma_start3A_49 = tpu.memref_slice %arg7[%dma_start3A_39, %dma_start3A_40, %dma_start3A_41, %dma_start3A_48] : memref<2x3x8x128xi32, #tpu.memory_space<vmem>> -> memref<1x1x1x128xi32, #tpu.memory_space<vmem>>
    %dma_start3A_50 = tpu.memref_squeeze %dma_start3A_49 : memref<1x1x1x128xi32, #tpu.memory_space<vmem>> -> memref<128xi32, #tpu.memory_space<vmem>>
    %dma_start3A_51 = arith.constant 0 : i32
    %dma_start3A_52 = arith.constant 0 : i32
    %dma_start3A_53 = tpu.memref_slice %arg3[%dma_start3A_51, %dma_start3A_52] : memref<42240x64xf32, #tpu.memory_space<hbm>> -> memref<42240x64xf32, #tpu.memory_space<hbm>>
    %dma_start3A_54 = tpu.memref_slice %arg10[%dma_start3A_43] : memref<2x!tpu.dma_semaphore, #tpu.memory_space<semaphore_mem>> -> memref<1x!tpu.dma_semaphore, #tpu.memory_space<semaphore_mem>>
    %dma_start3A_55 = tpu.memref_squeeze %dma_start3A_54 : memref<1x!tpu.dma_semaphore, #tpu.memory_space<semaphore_mem>> -> memref<!tpu.dma_semaphore, #tpu.memory_space<semaphore_mem>>
    tpu.enqueue_indirect_dma source(%dma_start3A_53 : memref<42240x64xf32, #tpu.memory_space<hbm>>) target(%dma_start3A_47 : memref<128x64xf32, #tpu.memory_space<vmem>>) offsets(%dma_start3A_50 : memref<128xi32, #tpu.memory_space<vmem>>) semaphore(%dma_start3A_55 : memref<!tpu.dma_semaphore, #tpu.memory_space<semaphore_mem>>)
    %dma_start3A_56 = arith.constant 0 : i32
    %dma_start3A_57 = arith.constant 0 : i32
    %dma_start3A_58 = arith.constant 1 : i32
    %dma_start3A_59 = arith.constant 0 : i32
    %dma_start3A_60 = arith.constant 0 : i32
    %dma_start3A_61 = arith.constant 128 : i32
    %dma_start3A_62 = arith.constant 0 : i32
    %dma_start3A_63 = tpu.memref_slice %arg8[%dma_start3A_59, %dma_start3A_61, %dma_start3A_62] : memref<2x512x64xf32, #tpu.memory_space<vmem>> -> memref<1x128x64xf32, #tpu.memory_space<vmem>>
    %dma_start3A_64 = tpu.memref_squeeze %dma_start3A_63 : memref<1x128x64xf32, #tpu.memory_space<vmem>> -> memref<128x64xf32, #tpu.memory_space<vmem>>
    %dma_start3A_65 = arith.constant 0 : i32
    %dma_start3A_66 = tpu.memref_slice %arg7[%dma_start3A_56, %dma_start3A_57, %dma_start3A_58, %dma_start3A_65] : memref<2x3x8x128xi32, #tpu.memory_space<vmem>> -> memref<1x1x1x128xi32, #tpu.memory_space<vmem>>
    %dma_start3A_67 = tpu.memref_squeeze %dma_start3A_66 : memref<1x1x1x128xi32, #tpu.memory_space<vmem>> -> memref<128xi32, #tpu.memory_space<vmem>>
    %dma_start3A_68 = arith.constant 0 : i32
    %dma_start3A_69 = arith.constant 0 : i32
    %dma_start3A_70 = tpu.memref_slice %arg3[%dma_start3A_68, %dma_start3A_69] : memref<42240x64xf32, #tpu.memory_space<hbm>> -> memref<42240x64xf32, #tpu.memory_space<hbm>>
    %dma_start3A_71 = tpu.memref_slice %arg10[%dma_start3A_60] : memref<2x!tpu.dma_semaphore, #tpu.memory_space<semaphore_mem>> -> memref<1x!tpu.dma_semaphore, #tpu.memory_space<semaphore_mem>>
    %dma_start3A_72 = tpu.memref_squeeze %dma_start3A_71 : memref<1x!tpu.dma_semaphore, #tpu.memory_space<semaphore_mem>> -> memref<!tpu.dma_semaphore, #tpu.memory_space<semaphore_mem>>
    tpu.enqueue_indirect_dma source(%dma_start3A_70 : memref<42240x64xf32, #tpu.memory_space<hbm>>) target(%dma_start3A_64 : memref<128x64xf32, #tpu.memory_space<vmem>>) offsets(%dma_start3A_67 : memref<128xi32, #tpu.memory_space<vmem>>) semaphore(%dma_start3A_72 : memref<!tpu.dma_semaphore, #tpu.memory_space<semaphore_mem>>)
    %dma_start3A_73 = arith.constant 0 : i32
    %dma_start3A_74 = arith.constant 0 : i32
    %dma_start3A_75 = arith.constant 2 : i32
    %dma_start3A_76 = arith.constant 0 : i32
    %dma_start3A_77 = arith.constant 0 : i32
    %dma_start3A_78 = arith.constant 256 : i32
    %dma_start3A_79 = arith.constant 0 : i32
    %dma_start3A_80 = tpu.memref_slice %arg8[%dma_start3A_76, %dma_start3A_78, %dma_start3A_79] : memref<2x512x64xf32, #tpu.memory_space<vmem>> -> memref<1x128x64xf32, #tpu.memory_space<vmem>>
    %dma_start3A_81 = tpu.memref_squeeze %dma_start3A_80 : memref<1x128x64xf32, #tpu.memory_space<vmem>> -> memref<128x64xf32, #tpu.memory_space<vmem>>
    %dma_start3A_82 = arith.constant 0 : i32
    %dma_start3A_83 = tpu.memref_slice %arg7[%dma_start3A_73, %dma_start3A_74, %dma_start3A_75, %dma_start3A_82] : memref<2x3x8x128xi32, #tpu.memory_space<vmem>> -> memref<1x1x1x128xi32, #tpu.memory_space<vmem>>
    %dma_start3A_84 = tpu.memref_squeeze %dma_start3A_83 : memref<1x1x1x128xi32, #tpu.memory_space<vmem>> -> memref<128xi32, #tpu.memory_space<vmem>>
    %dma_start3A_85 = arith.constant 0 : i32
    %dma_start3A_86 = arith.constant 0 : i32
    %dma_start3A_87 = tpu.memref_slice %arg3[%dma_start3A_85, %dma_start3A_86] : memref<42240x64xf32, #tpu.memory_space<hbm>> -> memref<42240x64xf32, #tpu.memory_space<hbm>>
    %dma_start3A_88 = tpu.memref_slice %arg10[%dma_start3A_77] : memref<2x!tpu.dma_semaphore, #tpu.memory_space<semaphore_mem>> -> memref<1x!tpu.dma_semaphore, #tpu.memory_space<semaphore_mem>>
    %dma_start3A_89 = tpu.memref_squeeze %dma_start3A_88 : memref<1x!tpu.dma_semaphore, #tpu.memory_space<semaphore_mem>> -> memref<!tpu.dma_semaphore, #tpu.memory_space<semaphore_mem>>
    tpu.enqueue_indirect_dma source(%dma_start3A_87 : memref<42240x64xf32, #tpu.memory_space<hbm>>) target(%dma_start3A_81 : memref<128x64xf32, #tpu.memory_space<vmem>>) offsets(%dma_start3A_84 : memref<128xi32, #tpu.memory_space<vmem>>) semaphore(%dma_start3A_89 : memref<!tpu.dma_semaphore, #tpu.memory_space<semaphore_mem>>)
    %dma_start3A_90 = arith.constant 0 : i32
    %dma_start3A_91 = arith.constant 0 : i32
    %dma_start3A_92 = arith.constant 3 : i32
    %dma_start3A_93 = arith.constant 0 : i32
    %dma_start3A_94 = arith.constant 0 : i32
    %dma_start3A_95 = arith.constant 384 : i32
    %dma_start3A_96 = arith.constant 0 : i32
    %dma_start3A_97 = tpu.memref_slice %arg8[%dma_start3A_93, %dma_start3A_95, %dma_start3A_96] : memref<2x512x64xf32, #tpu.memory_space<vmem>> -> memref<1x128x64xf32, #tpu.memory_space<vmem>>
    %dma_start3A_98 = tpu.memref_squeeze %dma_start3A_97 : memref<1x128x64xf32, #tpu.memory_space<vmem>> -> memref<128x64xf32, #tpu.memory_space<vmem>>
    %dma_start3A_99 = arith.constant 0 : i32
    %dma_start3A_100 = tpu.memref_slice %arg7[%dma_start3A_90, %dma_start3A_91, %dma_start3A_92, %dma_start3A_99] : memref<2x3x8x128xi32, #tpu.memory_space<vmem>> -> memref<1x1x1x128xi32, #tpu.memory_space<vmem>>
    %dma_start3A_101 = tpu.memref_squeeze %dma_start3A_100 : memref<1x1x1x128xi32, #tpu.memory_space<vmem>> -> memref<128xi32, #tpu.memory_space<vmem>>
    %dma_start3A_102 = arith.constant 0 : i32
    %dma_start3A_103 = arith.constant 0 : i32
    %dma_start3A_104 = tpu.memref_slice %arg3[%dma_start3A_102, %dma_start3A_103] : memref<42240x64xf32, #tpu.memory_space<hbm>> -> memref<42240x64xf32, #tpu.memory_space<hbm>>
    %dma_start3A_105 = tpu.memref_slice %arg10[%dma_start3A_94] : memref<2x!tpu.dma_semaphore, #tpu.memory_space<semaphore_mem>> -> memref<1x!tpu.dma_semaphore, #tpu.memory_space<semaphore_mem>>
    %dma_start3A_106 = tpu.memref_squeeze %dma_start3A_105 : memref<1x!tpu.dma_semaphore, #tpu.memory_space<semaphore_mem>> -> memref<!tpu.dma_semaphore, #tpu.memory_space<semaphore_mem>>
    tpu.enqueue_indirect_dma source(%dma_start3A_104 : memref<42240x64xf32, #tpu.memory_space<hbm>>) target(%dma_start3A_98 : memref<128x64xf32, #tpu.memory_space<vmem>>) offsets(%dma_start3A_101 : memref<128xi32, #tpu.memory_space<vmem>>) semaphore(%dma_start3A_106 : memref<!tpu.dma_semaphore, #tpu.memory_space<semaphore_mem>>)
    %mul3A_107 = arith.constant 200 : i32
    %mul3A_108 = arith.muli %add3A, %mul3A_107 : i32
    %add3A_109 = arith.constant 8 : i32
    %add3A_110 = arith.addi %mul3A_108, %add3A_109 : i32
    %multiple_of3A_111 = tpu.assume_multiple %add3A_110, 8 : i32
    %dma_start3A_112 = arith.constant 1 : i32
    %dma_start3A_113 = arith.constant 0 : i32
    %dma_start3A_114 = arith.constant 0 : i32
    %dma_start3A_115 = arith.constant 0 : i32
    %dma_start3A_116 = tpu.memref_slice %arg7[%dma_start3A_112, %dma_start3A_113, %dma_start3A_114, %dma_start3A_115] : memref<2x3x8x128xi32, #tpu.memory_space<vmem>> -> memref<1x3x8x128xi32, #tpu.memory_space<vmem>>
    %dma_start3A_117 = tpu.memref_squeeze %dma_start3A_116 : memref<1x3x8x128xi32, #tpu.memory_space<vmem>> -> memref<3x8x128xi32, #tpu.memory_space<vmem>>
    %dma_start3A_118 = arith.constant 0 : i32
    %dma_start3A_119 = arith.constant 0 : i32
    %dma_start3A_120 = tpu.memref_slice %arg2[%dma_start3A_118, %multiple_of3A_111, %dma_start3A_119] : memref<3x6400x128xi32, #tpu.memory_space<hbm>> -> memref<3x8x128xi32, #tpu.memory_space<hbm>>
    %dma_start3A_121 = arith.constant 0 : i32
    %dma_start3A_122 = arith.constant 0 : i32
    %dma_start3A_123 = arith.constant 0 : i32
    %dma_start3A_124 = tpu.memref_slice %arg7[%dma_start3A_112, %dma_start3A_121, %dma_start3A_122, %dma_start3A_123] : memref<2x3x8x128xi32, #tpu.memory_space<vmem>> -> memref<1x3x8x128xi32, #tpu.memory_space<vmem>>
    %dma_start3A_125 = tpu.memref_squeeze %dma_start3A_124 : memref<1x3x8x128xi32, #tpu.memory_space<vmem>> -> memref<3x8x128xi32, #tpu.memory_space<vmem>>
    %dma_start3A_126 = arith.constant 0 : i32
    %dma_start3A_127 = arith.constant 0 : i32
    %dma_start3A_128 = tpu.memref_slice %arg2[%dma_start3A_126, %multiple_of3A_111, %dma_start3A_127] : memref<3x6400x128xi32, #tpu.memory_space<hbm>> -> memref<3x8x128xi32, #tpu.memory_space<hbm>>
    tpu.enqueue_dma source(%dma_start3A_128 : memref<3x8x128xi32, #tpu.memory_space<hbm>>) target(%dma_start3A_125 : memref<3x8x128xi32, #tpu.memory_space<vmem>>) target_semaphore(%arg9 : memref<!tpu.dma_semaphore, #tpu.memory_space<semaphore_mem>>)
    %scan3A = arith.constant 0 : i32
    %scan3A_129 = arith.constant 0 : i32
    %scan3A_130 = arith.constant 25 : i32
    %scan3A_131 = arith.addi %scan3A_129, %scan3A_130 : i32
    %scan3A_132 = arith.constant 1 : i32
    scf.for %scan3A_170 = %scan3A_129 to %scan3A_131 step %scan3A_132  : i32 {
      %mul3A_171 = arith.constant 2 : i32
      %mul3A_172 = arith.muli %mul3A_171, %scan3A_170 : i32
      %mul3A_173 = arith.constant 2 : i32
      %mul3A_174 = arith.muli %mul3A_173, %scan3A_170 : i32
      %add3A_175 = arith.constant 1 : i32
      %add3A_176 = arith.addi %mul3A_174, %add3A_175 : i32
      %and3A = arith.constant 1 : i32
      %and3A_177 = arith.andi %scan3A_170, %and3A : i32
      %sub3A = arith.constant 1 : i32
      %sub3A_178 = arith.subi %sub3A, %and3A_177 : i32
      %dma_wait3A_179 = arith.constant 0 : i32
      %dma_wait3A_180 = arith.constant 0 : i32
      %dma_wait3A_181 = arith.constant 0 : i32
      %dma_wait3A_182 = arith.constant 0 : i32
      %dma_wait3A_183 = tpu.memref_slice %arg8[%dma_wait3A_179, %dma_wait3A_181, %dma_wait3A_182] : memref<2x512x64xf32, #tpu.memory_space<vmem>> -> memref<1x512x64xf32, #tpu.memory_space<vmem>>
      %dma_wait3A_184 = tpu.memref_squeeze %dma_wait3A_183 : memref<1x512x64xf32, #tpu.memory_space<vmem>> -> memref<512x64xf32, #tpu.memory_space<vmem>>
      %dma_wait3A_185 = arith.constant 0 : i32
      %dma_wait3A_186 = arith.constant 0 : i32
      %dma_wait3A_187 = tpu.memref_slice %arg6[%dma_wait3A_185, %dma_wait3A_186] : memref<819200x64xf32, #tpu.memory_space<hbm>> -> memref<512x64xf32, #tpu.memory_space<hbm>>
      %dma_wait3A_188 = tpu.memref_slice %arg10[%dma_wait3A_180] : memref<2x!tpu.dma_semaphore, #tpu.memory_space<semaphore_mem>> -> memref<1x!tpu.dma_semaphore, #tpu.memory_space<semaphore_mem>>
      %dma_wait3A_189 = tpu.memref_squeeze %dma_wait3A_188 : memref<1x!tpu.dma_semaphore, #tpu.memory_space<semaphore_mem>> -> memref<!tpu.dma_semaphore, #tpu.memory_space<semaphore_mem>>
      %dma_wait3A_190 = arith.constant 0 : i32
      %dma_wait3A_191 = arith.constant 0 : i32
      %dma_wait3A_192 = tpu.memref_slice %arg8[%dma_wait3A_179, %dma_wait3A_190, %dma_wait3A_191] : memref<2x512x64xf32, #tpu.memory_space<vmem>> -> memref<1x512x64xf32, #tpu.memory_space<vmem>>
      %dma_wait3A_193 = tpu.memref_squeeze %dma_wait3A_192 : memref<1x512x64xf32, #tpu.memory_space<vmem>> -> memref<512x64xf32, #tpu.memory_space<vmem>>
      %dma_wait3A_194 = arith.constant 0 : i32
      %dma_wait3A_195 = arith.constant 0 : i32
      %dma_wait3A_196 = tpu.memref_slice %arg6[%dma_wait3A_194, %dma_wait3A_195] : memref<819200x64xf32, #tpu.memory_space<hbm>> -> memref<512x64xf32, #tpu.memory_space<hbm>>
      tpu.wait_dma2 semaphore(%dma_wait3A_189 : memref<!tpu.dma_semaphore, #tpu.memory_space<semaphore_mem>>) src(%dma_wait3A_196 : memref<512x64xf32, #tpu.memory_space<hbm>>) dst(%dma_wait3A_193 : memref<512x64xf32, #tpu.memory_space<vmem>>)
      %dma_start3A_197 = arith.constant 1 : i32
      %dma_start3A_198 = arith.constant 0 : i32
      %dma_start3A_199 = arith.constant 0 : i32
      %dma_start3A_200 = arith.constant 0 : i32
      %dma_start3A_201 = arith.constant 0 : i32
      %dma_start3A_202 = arith.constant 0 : i32
      %dma_start3A_203 = tpu.memref_slice %arg8[%dma_start3A_199, %dma_start3A_201, %dma_start3A_202] : memref<2x512x64xf32, #tpu.memory_space<vmem>> -> memref<1x128x64xf32, #tpu.memory_space<vmem>>
      %dma_start3A_204 = tpu.memref_squeeze %dma_start3A_203 : memref<1x128x64xf32, #tpu.memory_space<vmem>> -> memref<128x64xf32, #tpu.memory_space<vmem>>
      %dma_start3A_205 = arith.constant 0 : i32
      %dma_start3A_206 = tpu.memref_slice %arg7[%and3A_177, %dma_start3A_197, %dma_start3A_198, %dma_start3A_205] : memref<2x3x8x128xi32, #tpu.memory_space<vmem>> -> memref<1x1x1x128xi32, #tpu.memory_space<vmem>>
      %dma_start3A_207 = tpu.memref_squeeze %dma_start3A_206 : memref<1x1x1x128xi32, #tpu.memory_space<vmem>> -> memref<128xi32, #tpu.memory_space<vmem>>
      %dma_start3A_208 = arith.constant 0 : i32
      %dma_start3A_209 = arith.constant 0 : i32
      %dma_start3A_210 = tpu.memref_slice %arg4[%dma_start3A_208, %dma_start3A_209] : memref<72960x64xf32, #tpu.memory_space<hbm>> -> memref<72960x64xf32, #tpu.memory_space<hbm>>
      %dma_start3A_211 = tpu.memref_slice %arg11[%dma_start3A_200] : memref<2x!tpu.dma_semaphore, #tpu.memory_space<semaphore_mem>> -> memref<1x!tpu.dma_semaphore, #tpu.memory_space<semaphore_mem>>
      %dma_start3A_212 = tpu.memref_squeeze %dma_start3A_211 : memref<1x!tpu.dma_semaphore, #tpu.memory_space<semaphore_mem>> -> memref<!tpu.dma_semaphore, #tpu.memory_space<semaphore_mem>>
      tpu.enqueue_indirect_dma source(%dma_start3A_210 : memref<72960x64xf32, #tpu.memory_space<hbm>>) target(%dma_start3A_204 : memref<128x64xf32, #tpu.memory_space<vmem>>) offsets(%dma_start3A_207 : memref<128xi32, #tpu.memory_space<vmem>>) semaphore(%dma_start3A_212 : memref<!tpu.dma_semaphore, #tpu.memory_space<semaphore_mem>>) {add = true}
      %dma_start3A_213 = arith.constant 1 : i32
      %dma_start3A_214 = arith.constant 1 : i32
      %dma_start3A_215 = arith.constant 0 : i32
      %dma_start3A_216 = arith.constant 0 : i32
      %dma_start3A_217 = arith.constant 128 : i32
      %dma_start3A_218 = arith.constant 0 : i32
      %dma_start3A_219 = tpu.memref_slice %arg8[%dma_start3A_215, %dma_start3A_217, %dma_start3A_218] : memref<2x512x64xf32, #tpu.memory_space<vmem>> -> memref<1x128x64xf32, #tpu.memory_space<vmem>>
      %dma_start3A_220 = tpu.memref_squeeze %dma_start3A_219 : memref<1x128x64xf32, #tpu.memory_space<vmem>> -> memref<128x64xf32, #tpu.memory_space<vmem>>
      %dma_start3A_221 = arith.constant 0 : i32
      %dma_start3A_222 = tpu.memref_slice %arg7[%and3A_177, %dma_start3A_213, %dma_start3A_214, %dma_start3A_221] : memref<2x3x8x128xi32, #tpu.memory_space<vmem>> -> memref<1x1x1x128xi32, #tpu.memory_space<vmem>>
      %dma_start3A_223 = tpu.memref_squeeze %dma_start3A_222 : memref<1x1x1x128xi32, #tpu.memory_space<vmem>> -> memref<128xi32, #tpu.memory_space<vmem>>
      %dma_start3A_224 = arith.constant 0 : i32
      %dma_start3A_225 = arith.constant 0 : i32
      %dma_start3A_226 = tpu.memref_slice %arg4[%dma_start3A_224, %dma_start3A_225] : memref<72960x64xf32, #tpu.memory_space<hbm>> -> memref<72960x64xf32, #tpu.memory_space<hbm>>
      %dma_start3A_227 = tpu.memref_slice %arg11[%dma_start3A_216] : memref<2x!tpu.dma_semaphore, #tpu.memory_space<semaphore_mem>> -> memref<1x!tpu.dma_semaphore, #tpu.memory_space<semaphore_mem>>
      %dma_start3A_228 = tpu.memref_squeeze %dma_start3A_227 : memref<1x!tpu.dma_semaphore, #tpu.memory_space<semaphore_mem>> -> memref<!tpu.dma_semaphore, #tpu.memory_space<semaphore_mem>>
      tpu.enqueue_indirect_dma source(%dma_start3A_226 : memref<72960x64xf32, #tpu.memory_space<hbm>>) target(%dma_start3A_220 : memref<128x64xf32, #tpu.memory_space<vmem>>) offsets(%dma_start3A_223 : memref<128xi32, #tpu.memory_space<vmem>>) semaphore(%dma_start3A_228 : memref<!tpu.dma_semaphore, #tpu.memory_space<semaphore_mem>>) {add = true}
      %dma_start3A_229 = arith.constant 1 : i32
      %dma_start3A_230 = arith.constant 2 : i32
      %dma_start3A_231 = arith.constant 0 : i32
      %dma_start3A_232 = arith.constant 0 : i32
      %dma_start3A_233 = arith.constant 256 : i32
      %dma_start3A_234 = arith.constant 0 : i32
      %dma_start3A_235 = tpu.memref_slice %arg8[%dma_start3A_231, %dma_start3A_233, %dma_start3A_234] : memref<2x512x64xf32, #tpu.memory_space<vmem>> -> memref<1x128x64xf32, #tpu.memory_space<vmem>>
      %dma_start3A_236 = tpu.memref_squeeze %dma_start3A_235 : memref<1x128x64xf32, #tpu.memory_space<vmem>> -> memref<128x64xf32, #tpu.memory_space<vmem>>
      %dma_start3A_237 = arith.constant 0 : i32
      %dma_start3A_238 = tpu.memref_slice %arg7[%and3A_177, %dma_start3A_229, %dma_start3A_230, %dma_start3A_237] : memref<2x3x8x128xi32, #tpu.memory_space<vmem>> -> memref<1x1x1x128xi32, #tpu.memory_space<vmem>>
      %dma_start3A_239 = tpu.memref_squeeze %dma_start3A_238 : memref<1x1x1x128xi32, #tpu.memory_space<vmem>> -> memref<128xi32, #tpu.memory_space<vmem>>
      %dma_start3A_240 = arith.constant 0 : i32
      %dma_start3A_241 = arith.constant 0 : i32
      %dma_start3A_242 = tpu.memref_slice %arg4[%dma_start3A_240, %dma_start3A_241] : memref<72960x64xf32, #tpu.memory_space<hbm>> -> memref<72960x64xf32, #tpu.memory_space<hbm>>
      %dma_start3A_243 = tpu.memref_slice %arg11[%dma_start3A_232] : memref<2x!tpu.dma_semaphore, #tpu.memory_space<semaphore_mem>> -> memref<1x!tpu.dma_semaphore, #tpu.memory_space<semaphore_mem>>
      %dma_start3A_244 = tpu.memref_squeeze %dma_start3A_243 : memref<1x!tpu.dma_semaphore, #tpu.memory_space<semaphore_mem>> -> memref<!tpu.dma_semaphore, #tpu.memory_space<semaphore_mem>>
      tpu.enqueue_indirect_dma source(%dma_start3A_242 : memref<72960x64xf32, #tpu.memory_space<hbm>>) target(%dma_start3A_236 : memref<128x64xf32, #tpu.memory_space<vmem>>) offsets(%dma_start3A_239 : memref<128xi32, #tpu.memory_space<vmem>>) semaphore(%dma_start3A_244 : memref<!tpu.dma_semaphore, #tpu.memory_space<semaphore_mem>>) {add = true}
      %dma_start3A_245 = arith.constant 1 : i32
      %dma_start3A_246 = arith.constant 3 : i32
      %dma_start3A_247 = arith.constant 0 : i32
      %dma_start3A_248 = arith.constant 0 : i32
      %dma_start3A_249 = arith.constant 384 : i32
      %dma_start3A_250 = arith.constant 0 : i32
      %dma_start3A_251 = tpu.memref_slice %arg8[%dma_start3A_247, %dma_start3A_249, %dma_start3A_250] : memref<2x512x64xf32, #tpu.memory_space<vmem>> -> memref<1x128x64xf32, #tpu.memory_space<vmem>>
      %dma_start3A_252 = tpu.memref_squeeze %dma_start3A_251 : memref<1x128x64xf32, #tpu.memory_space<vmem>> -> memref<128x64xf32, #tpu.memory_space<vmem>>
      %dma_start3A_253 = arith.constant 0 : i32
      %dma_start3A_254 = tpu.memref_slice %arg7[%and3A_177, %dma_start3A_245, %dma_start3A_246, %dma_start3A_253] : memref<2x3x8x128xi32, #tpu.memory_space<vmem>> -> memref<1x1x1x128xi32, #tpu.memory_space<vmem>>
      %dma_start3A_255 = tpu.memref_squeeze %dma_start3A_254 : memref<1x1x1x128xi32, #tpu.memory_space<vmem>> -> memref<128xi32, #tpu.memory_space<vmem>>
      %dma_start3A_256 = arith.constant 0 : i32
      %dma_start3A_257 = arith.constant 0 : i32
      %dma_start3A_258 = tpu.memref_slice %arg4[%dma_start3A_256, %dma_start3A_257] : memref<72960x64xf32, #tpu.memory_space<hbm>> -> memref<72960x64xf32, #tpu.memory_space<hbm>>
      %dma_start3A_259 = tpu.memref_slice %arg11[%dma_start3A_248] : memref<2x!tpu.dma_semaphore, #tpu.memory_space<semaphore_mem>> -> memref<1x!tpu.dma_semaphore, #tpu.memory_space<semaphore_mem>>
      %dma_start3A_260 = tpu.memref_squeeze %dma_start3A_259 : memref<1x!tpu.dma_semaphore, #tpu.memory_space<semaphore_mem>> -> memref<!tpu.dma_semaphore, #tpu.memory_space<semaphore_mem>>
      tpu.enqueue_indirect_dma source(%dma_start3A_258 : memref<72960x64xf32, #tpu.memory_space<hbm>>) target(%dma_start3A_252 : memref<128x64xf32, #tpu.memory_space<vmem>>) offsets(%dma_start3A_255 : memref<128xi32, #tpu.memory_space<vmem>>) semaphore(%dma_start3A_260 : memref<!tpu.dma_semaphore, #tpu.memory_space<semaphore_mem>>) {add = true}
      %dma_start3A_261 = arith.constant 2 : i32
      %dma_start3A_262 = arith.constant 0 : i32
      %dma_start3A_263 = arith.constant 0 : i32
      %dma_start3A_264 = arith.constant 0 : i32
      %dma_start3A_265 = arith.constant 0 : i32
      %dma_start3A_266 = arith.constant 0 : i32
      %dma_start3A_267 = tpu.memref_slice %arg8[%dma_start3A_263, %dma_start3A_265, %dma_start3A_266] : memref<2x512x64xf32, #tpu.memory_space<vmem>> -> memref<1x128x64xf32, #tpu.memory_space<vmem>>
      %dma_start3A_268 = tpu.memref_squeeze %dma_start3A_267 : memref<1x128x64xf32, #tpu.memory_space<vmem>> -> memref<128x64xf32, #tpu.memory_space<vmem>>
      %dma_start3A_269 = arith.constant 0 : i32
      %dma_start3A_270 = tpu.memref_slice %arg7[%and3A_177, %dma_start3A_261, %dma_start3A_262, %dma_start3A_269] : memref<2x3x8x128xi32, #tpu.memory_space<vmem>> -> memref<1x1x1x128xi32, #tpu.memory_space<vmem>>
      %dma_start3A_271 = tpu.memref_squeeze %dma_start3A_270 : memref<1x1x1x128xi32, #tpu.memory_space<vmem>> -> memref<128xi32, #tpu.memory_space<vmem>>
      %dma_start3A_272 = arith.constant 0 : i32
      %dma_start3A_273 = arith.constant 0 : i32
      %dma_start3A_274 = tpu.memref_slice %arg5[%dma_start3A_272, %dma_start3A_273] : memref<65280x64xf32, #tpu.memory_space<hbm>> -> memref<65280x64xf32, #tpu.memory_space<hbm>>
      %dma_start3A_275 = tpu.memref_slice %arg11[%dma_start3A_264] : memref<2x!tpu.dma_semaphore, #tpu.memory_space<semaphore_mem>> -> memref<1x!tpu.dma_semaphore, #tpu.memory_space<semaphore_mem>>
      %dma_start3A_276 = tpu.memref_squeeze %dma_start3A_275 : memref<1x!tpu.dma_semaphore, #tpu.memory_space<semaphore_mem>> -> memref<!tpu.dma_semaphore, #tpu.memory_space<semaphore_mem>>
      tpu.enqueue_indirect_dma source(%dma_start3A_274 : memref<65280x64xf32, #tpu.memory_space<hbm>>) target(%dma_start3A_268 : memref<128x64xf32, #tpu.memory_space<vmem>>) offsets(%dma_start3A_271 : memref<128xi32, #tpu.memory_space<vmem>>) semaphore(%dma_start3A_276 : memref<!tpu.dma_semaphore, #tpu.memory_space<semaphore_mem>>) {add = true}
      %dma_start3A_277 = arith.constant 2 : i32
      %dma_start3A_278 = arith.constant 1 : i32
      %dma_start3A_279 = arith.constant 0 : i32
      %dma_start3A_280 = arith.constant 0 : i32
      %dma_start3A_281 = arith.constant 128 : i32
      %dma_start3A_282 = arith.constant 0 : i32
      %dma_start3A_283 = tpu.memref_slice %arg8[%dma_start3A_279, %dma_start3A_281, %dma_start3A_282] : memref<2x512x64xf32, #tpu.memory_space<vmem>> -> memref<1x128x64xf32, #tpu.memory_space<vmem>>
      %dma_start3A_284 = tpu.memref_squeeze %dma_start3A_283 : memref<1x128x64xf32, #tpu.memory_space<vmem>> -> memref<128x64xf32, #tpu.memory_space<vmem>>
      %dma_start3A_285 = arith.constant 0 : i32
      %dma_start3A_286 = tpu.memref_slice %arg7[%and3A_177, %dma_start3A_277, %dma_start3A_278, %dma_start3A_285] : memref<2x3x8x128xi32, #tpu.memory_space<vmem>> -> memref<1x1x1x128xi32, #tpu.memory_space<vmem>>
      %dma_start3A_287 = tpu.memref_squeeze %dma_start3A_286 : memref<1x1x1x128xi32, #tpu.memory_space<vmem>> -> memref<128xi32, #tpu.memory_space<vmem>>
      %dma_start3A_288 = arith.constant 0 : i32
      %dma_start3A_289 = arith.constant 0 : i32
      %dma_start3A_290 = tpu.memref_slice %arg5[%dma_start3A_288, %dma_start3A_289] : memref<65280x64xf32, #tpu.memory_space<hbm>> -> memref<65280x64xf32, #tpu.memory_space<hbm>>
      %dma_start3A_291 = tpu.memref_slice %arg11[%dma_start3A_280] : memref<2x!tpu.dma_semaphore, #tpu.memory_space<semaphore_mem>> -> memref<1x!tpu.dma_semaphore, #tpu.memory_space<semaphore_mem>>
      %dma_start3A_292 = tpu.memref_squeeze %dma_start3A_291 : memref<1x!tpu.dma_semaphore, #tpu.memory_space<semaphore_mem>> -> memref<!tpu.dma_semaphore, #tpu.memory_space<semaphore_mem>>
      tpu.enqueue_indirect_dma source(%dma_start3A_290 : memref<65280x64xf32, #tpu.memory_space<hbm>>) target(%dma_start3A_284 : memref<128x64xf32, #tpu.memory_space<vmem>>) offsets(%dma_start3A_287 : memref<128xi32, #tpu.memory_space<vmem>>) semaphore(%dma_start3A_292 : memref<!tpu.dma_semaphore, #tpu.memory_space<semaphore_mem>>) {add = true}
      %dma_start3A_293 = arith.constant 2 : i32
      %dma_start3A_294 = arith.constant 2 : i32
      %dma_start3A_295 = arith.constant 0 : i32
      %dma_start3A_296 = arith.constant 0 : i32
      %dma_start3A_297 = arith.constant 256 : i32
      %dma_start3A_298 = arith.constant 0 : i32
      %dma_start3A_299 = tpu.memref_slice %arg8[%dma_start3A_295, %dma_start3A_297, %dma_start3A_298] : memref<2x512x64xf32, #tpu.memory_space<vmem>> -> memref<1x128x64xf32, #tpu.memory_space<vmem>>
      %dma_start3A_300 = tpu.memref_squeeze %dma_start3A_299 : memref<1x128x64xf32, #tpu.memory_space<vmem>> -> memref<128x64xf32, #tpu.memory_space<vmem>>
      %dma_start3A_301 = arith.constant 0 : i32
      %dma_start3A_302 = tpu.memref_slice %arg7[%and3A_177, %dma_start3A_293, %dma_start3A_294, %dma_start3A_301] : memref<2x3x8x128xi32, #tpu.memory_space<vmem>> -> memref<1x1x1x128xi32, #tpu.memory_space<vmem>>
      %dma_start3A_303 = tpu.memref_squeeze %dma_start3A_302 : memref<1x1x1x128xi32, #tpu.memory_space<vmem>> -> memref<128xi32, #tpu.memory_space<vmem>>
      %dma_start3A_304 = arith.constant 0 : i32
      %dma_start3A_305 = arith.constant 0 : i32
      %dma_start3A_306 = tpu.memref_slice %arg5[%dma_start3A_304, %dma_start3A_305] : memref<65280x64xf32, #tpu.memory_space<hbm>> -> memref<65280x64xf32, #tpu.memory_space<hbm>>
      %dma_start3A_307 = tpu.memref_slice %arg11[%dma_start3A_296] : memref<2x!tpu.dma_semaphore, #tpu.memory_space<semaphore_mem>> -> memref<1x!tpu.dma_semaphore, #tpu.memory_space<semaphore_mem>>
      %dma_start3A_308 = tpu.memref_squeeze %dma_start3A_307 : memref<1x!tpu.dma_semaphore, #tpu.memory_space<semaphore_mem>> -> memref<!tpu.dma_semaphore, #tpu.memory_space<semaphore_mem>>
      tpu.enqueue_indirect_dma source(%dma_start3A_306 : memref<65280x64xf32, #tpu.memory_space<hbm>>) target(%dma_start3A_300 : memref<128x64xf32, #tpu.memory_space<vmem>>) offsets(%dma_start3A_303 : memref<128xi32, #tpu.memory_space<vmem>>) semaphore(%dma_start3A_308 : memref<!tpu.dma_semaphore, #tpu.memory_space<semaphore_mem>>) {add = true}
      %dma_start3A_309 = arith.constant 2 : i32
      %dma_start3A_310 = arith.constant 3 : i32
      %dma_start3A_311 = arith.constant 0 : i32
      %dma_start3A_312 = arith.constant 0 : i32
      %dma_start3A_313 = arith.constant 384 : i32
      %dma_start3A_314 = arith.constant 0 : i32
      %dma_start3A_315 = tpu.memref_slice %arg8[%dma_start3A_311, %dma_start3A_313, %dma_start3A_314] : memref<2x512x64xf32, #tpu.memory_space<vmem>> -> memref<1x128x64xf32, #tpu.memory_space<vmem>>
      %dma_start3A_316 = tpu.memref_squeeze %dma_start3A_315 : memref<1x128x64xf32, #tpu.memory_space<vmem>> -> memref<128x64xf32, #tpu.memory_space<vmem>>
      %dma_start3A_317 = arith.constant 0 : i32
      %dma_start3A_318 = tpu.memref_slice %arg7[%and3A_177, %dma_start3A_309, %dma_start3A_310, %dma_start3A_317] : memref<2x3x8x128xi32, #tpu.memory_space<vmem>> -> memref<1x1x1x128xi32, #tpu.memory_space<vmem>>
      %dma_start3A_319 = tpu.memref_squeeze %dma_start3A_318 : memref<1x1x1x128xi32, #tpu.memory_space<vmem>> -> memref<128xi32, #tpu.memory_space<vmem>>
      %dma_start3A_320 = arith.constant 0 : i32
      %dma_start3A_321 = arith.constant 0 : i32
      %dma_start3A_322 = tpu.memref_slice %arg5[%dma_start3A_320, %dma_start3A_321] : memref<65280x64xf32, #tpu.memory_space<hbm>> -> memref<65280x64xf32, #tpu.memory_space<hbm>>
      %dma_start3A_323 = tpu.memref_slice %arg11[%dma_start3A_312] : memref<2x!tpu.dma_semaphore, #tpu.memory_space<semaphore_mem>> -> memref<1x!tpu.dma_semaphore, #tpu.memory_space<semaphore_mem>>
      %dma_start3A_324 = tpu.memref_squeeze %dma_start3A_323 : memref<1x!tpu.dma_semaphore, #tpu.memory_space<semaphore_mem>> -> memref<!tpu.dma_semaphore, #tpu.memory_space<semaphore_mem>>
      tpu.enqueue_indirect_dma source(%dma_start3A_322 : memref<65280x64xf32, #tpu.memory_space<hbm>>) target(%dma_start3A_316 : memref<128x64xf32, #tpu.memory_space<vmem>>) offsets(%dma_start3A_319 : memref<128xi32, #tpu.memory_space<vmem>>) semaphore(%dma_start3A_324 : memref<!tpu.dma_semaphore, #tpu.memory_space<semaphore_mem>>) {add = true}
      %gt3A = arith.constant 0 : i32
      %gt3A_325 = arith.cmpi sgt, %scan3A_170, %gt3A : i32
      %convert_element_type3A = arith.extui %gt3A_325 : i1 to i32
      %cond3A = arith.constant 0 : i32
      %cond3A_326 = arith.cmpi ne, %convert_element_type3A, %cond3A : i32
      scf.if %cond3A_326 {
        %dma_wait3A_664 = arith.constant 1 : i32
        %dma_wait3A_665 = arith.constant 1 : i32
        %dma_wait3A_666 = arith.constant 0 : i32
        %dma_wait3A_667 = arith.constant 0 : i32
        %dma_wait3A_668 = tpu.memref_slice %arg8[%dma_wait3A_664, %dma_wait3A_666, %dma_wait3A_667] : memref<2x512x64xf32, #tpu.memory_space<vmem>> -> memref<1x512x64xf32, #tpu.memory_space<vmem>>
        %dma_wait3A_669 = tpu.memref_squeeze %dma_wait3A_668 : memref<1x512x64xf32, #tpu.memory_space<vmem>> -> memref<512x64xf32, #tpu.memory_space<vmem>>
        %dma_wait3A_670 = arith.constant 0 : i32
        %dma_wait3A_671 = arith.constant 0 : i32
        %dma_wait3A_672 = tpu.memref_slice %arg6[%dma_wait3A_670, %dma_wait3A_671] : memref<819200x64xf32, #tpu.memory_space<hbm>> -> memref<512x64xf32, #tpu.memory_space<hbm>>
        %dma_wait3A_673 = tpu.memref_slice %arg12[%dma_wait3A_665] : memref<2x!tpu.dma_semaphore, #tpu.memory_space<semaphore_mem>> -> memref<1x!tpu.dma_semaphore, #tpu.memory_space<semaphore_mem>>
        %dma_wait3A_674 = tpu.memref_squeeze %dma_wait3A_673 : memref<1x!tpu.dma_semaphore, #tpu.memory_space<semaphore_mem>> -> memref<!tpu.dma_semaphore, #tpu.memory_space<semaphore_mem>>
        %dma_wait3A_675 = arith.constant 0 : i32
        %dma_wait3A_676 = arith.constant 0 : i32
        %dma_wait3A_677 = tpu.memref_slice %arg6[%dma_wait3A_675, %dma_wait3A_676] : memref<819200x64xf32, #tpu.memory_space<hbm>> -> memref<512x64xf32, #tpu.memory_space<hbm>>
        %dma_wait3A_678 = arith.constant 0 : i32
        %dma_wait3A_679 = arith.constant 0 : i32
        %dma_wait3A_680 = tpu.memref_slice %arg8[%dma_wait3A_664, %dma_wait3A_678, %dma_wait3A_679] : memref<2x512x64xf32, #tpu.memory_space<vmem>> -> memref<1x512x64xf32, #tpu.memory_space<vmem>>
        %dma_wait3A_681 = tpu.memref_squeeze %dma_wait3A_680 : memref<1x512x64xf32, #tpu.memory_space<vmem>> -> memref<512x64xf32, #tpu.memory_space<vmem>>
        tpu.wait_dma2 semaphore(%dma_wait3A_674 : memref<!tpu.dma_semaphore, #tpu.memory_space<semaphore_mem>>) src(%dma_wait3A_681 : memref<512x64xf32, #tpu.memory_space<vmem>>) dst(%dma_wait3A_677 : memref<512x64xf32, #tpu.memory_space<hbm>>)
      } else {
      }
      %dma_start3A_327 = arith.constant 0 : i32
      %dma_start3A_328 = arith.constant 4 : i32
      %dma_start3A_329 = arith.constant 1 : i32
      %dma_start3A_330 = arith.constant 1 : i32
      %dma_start3A_331 = arith.constant 0 : i32
      %dma_start3A_332 = arith.constant 0 : i32
      %dma_start3A_333 = tpu.memref_slice %arg8[%dma_start3A_329, %dma_start3A_331, %dma_start3A_332] : memref<2x512x64xf32, #tpu.memory_space<vmem>> -> memref<1x128x64xf32, #tpu.memory_space<vmem>>
      %dma_start3A_334 = tpu.memref_squeeze %dma_start3A_333 : memref<1x128x64xf32, #tpu.memory_space<vmem>> -> memref<128x64xf32, #tpu.memory_space<vmem>>
      %dma_start3A_335 = arith.constant 0 : i32
      %dma_start3A_336 = tpu.memref_slice %arg7[%and3A_177, %dma_start3A_327, %dma_start3A_328, %dma_start3A_335] : memref<2x3x8x128xi32, #tpu.memory_space<vmem>> -> memref<1x1x1x128xi32, #tpu.memory_space<vmem>>
      %dma_start3A_337 = tpu.memref_squeeze %dma_start3A_336 : memref<1x1x1x128xi32, #tpu.memory_space<vmem>> -> memref<128xi32, #tpu.memory_space<vmem>>
      %dma_start3A_338 = arith.constant 0 : i32
      %dma_start3A_339 = arith.constant 0 : i32
      %dma_start3A_340 = tpu.memref_slice %arg3[%dma_start3A_338, %dma_start3A_339] : memref<42240x64xf32, #tpu.memory_space<hbm>> -> memref<42240x64xf32, #tpu.memory_space<hbm>>
      %dma_start3A_341 = tpu.memref_slice %arg10[%dma_start3A_330] : memref<2x!tpu.dma_semaphore, #tpu.memory_space<semaphore_mem>> -> memref<1x!tpu.dma_semaphore, #tpu.memory_space<semaphore_mem>>
      %dma_start3A_342 = tpu.memref_squeeze %dma_start3A_341 : memref<1x!tpu.dma_semaphore, #tpu.memory_space<semaphore_mem>> -> memref<!tpu.dma_semaphore, #tpu.memory_space<semaphore_mem>>
      tpu.enqueue_indirect_dma source(%dma_start3A_340 : memref<42240x64xf32, #tpu.memory_space<hbm>>) target(%dma_start3A_334 : memref<128x64xf32, #tpu.memory_space<vmem>>) offsets(%dma_start3A_337 : memref<128xi32, #tpu.memory_space<vmem>>) semaphore(%dma_start3A_342 : memref<!tpu.dma_semaphore, #tpu.memory_space<semaphore_mem>>)
      %dma_start3A_343 = arith.constant 0 : i32
      %dma_start3A_344 = arith.constant 5 : i32
      %dma_start3A_345 = arith.constant 1 : i32
      %dma_start3A_346 = arith.constant 1 : i32
      %dma_start3A_347 = arith.constant 128 : i32
      %dma_start3A_348 = arith.constant 0 : i32
      %dma_start3A_349 = tpu.memref_slice %arg8[%dma_start3A_345, %dma_start3A_347, %dma_start3A_348] : memref<2x512x64xf32, #tpu.memory_space<vmem>> -> memref<1x128x64xf32, #tpu.memory_space<vmem>>
      %dma_start3A_350 = tpu.memref_squeeze %dma_start3A_349 : memref<1x128x64xf32, #tpu.memory_space<vmem>> -> memref<128x64xf32, #tpu.memory_space<vmem>>
      %dma_start3A_351 = arith.constant 0 : i32
      %dma_start3A_352 = tpu.memref_slice %arg7[%and3A_177, %dma_start3A_343, %dma_start3A_344, %dma_start3A_351] : memref<2x3x8x128xi32, #tpu.memory_space<vmem>> -> memref<1x1x1x128xi32, #tpu.memory_space<vmem>>
      %dma_start3A_353 = tpu.memref_squeeze %dma_start3A_352 : memref<1x1x1x128xi32, #tpu.memory_space<vmem>> -> memref<128xi32, #tpu.memory_space<vmem>>
      %dma_start3A_354 = arith.constant 0 : i32
      %dma_start3A_355 = arith.constant 0 : i32
      %dma_start3A_356 = tpu.memref_slice %arg3[%dma_start3A_354, %dma_start3A_355] : memref<42240x64xf32, #tpu.memory_space<hbm>> -> memref<42240x64xf32, #tpu.memory_space<hbm>>
      %dma_start3A_357 = tpu.memref_slice %arg10[%dma_start3A_346] : memref<2x!tpu.dma_semaphore, #tpu.memory_space<semaphore_mem>> -> memref<1x!tpu.dma_semaphore, #tpu.memory_space<semaphore_mem>>
      %dma_start3A_358 = tpu.memref_squeeze %dma_start3A_357 : memref<1x!tpu.dma_semaphore, #tpu.memory_space<semaphore_mem>> -> memref<!tpu.dma_semaphore, #tpu.memory_space<semaphore_mem>>
      tpu.enqueue_indirect_dma source(%dma_start3A_356 : memref<42240x64xf32, #tpu.memory_space<hbm>>) target(%dma_start3A_350 : memref<128x64xf32, #tpu.memory_space<vmem>>) offsets(%dma_start3A_353 : memref<128xi32, #tpu.memory_space<vmem>>) semaphore(%dma_start3A_358 : memref<!tpu.dma_semaphore, #tpu.memory_space<semaphore_mem>>)
      %dma_start3A_359 = arith.constant 0 : i32
      %dma_start3A_360 = arith.constant 6 : i32
      %dma_start3A_361 = arith.constant 1 : i32
      %dma_start3A_362 = arith.constant 1 : i32
      %dma_start3A_363 = arith.constant 256 : i32
      %dma_start3A_364 = arith.constant 0 : i32
      %dma_start3A_365 = tpu.memref_slice %arg8[%dma_start3A_361, %dma_start3A_363, %dma_start3A_364] : memref<2x512x64xf32, #tpu.memory_space<vmem>> -> memref<1x128x64xf32, #tpu.memory_space<vmem>>
      %dma_start3A_366 = tpu.memref_squeeze %dma_start3A_365 : memref<1x128x64xf32, #tpu.memory_space<vmem>> -> memref<128x64xf32, #tpu.memory_space<vmem>>
      %dma_start3A_367 = arith.constant 0 : i32
      %dma_start3A_368 = tpu.memref_slice %arg7[%and3A_177, %dma_start3A_359, %dma_start3A_360, %dma_start3A_367] : memref<2x3x8x128xi32, #tpu.memory_space<vmem>> -> memref<1x1x1x128xi32, #tpu.memory_space<vmem>>
      %dma_start3A_369 = tpu.memref_squeeze %dma_start3A_368 : memref<1x1x1x128xi32, #tpu.memory_space<vmem>> -> memref<128xi32, #tpu.memory_space<vmem>>
      %dma_start3A_370 = arith.constant 0 : i32
      %dma_start3A_371 = arith.constant 0 : i32
      %dma_start3A_372 = tpu.memref_slice %arg3[%dma_start3A_370, %dma_start3A_371] : memref<42240x64xf32, #tpu.memory_space<hbm>> -> memref<42240x64xf32, #tpu.memory_space<hbm>>
      %dma_start3A_373 = tpu.memref_slice %arg10[%dma_start3A_362] : memref<2x!tpu.dma_semaphore, #tpu.memory_space<semaphore_mem>> -> memref<1x!tpu.dma_semaphore, #tpu.memory_space<semaphore_mem>>
      %dma_start3A_374 = tpu.memref_squeeze %dma_start3A_373 : memref<1x!tpu.dma_semaphore, #tpu.memory_space<semaphore_mem>> -> memref<!tpu.dma_semaphore, #tpu.memory_space<semaphore_mem>>
      tpu.enqueue_indirect_dma source(%dma_start3A_372 : memref<42240x64xf32, #tpu.memory_space<hbm>>) target(%dma_start3A_366 : memref<128x64xf32, #tpu.memory_space<vmem>>) offsets(%dma_start3A_369 : memref<128xi32, #tpu.memory_space<vmem>>) semaphore(%dma_start3A_374 : memref<!tpu.dma_semaphore, #tpu.memory_space<semaphore_mem>>)
      %dma_start3A_375 = arith.constant 0 : i32
      %dma_start3A_376 = arith.constant 7 : i32
      %dma_start3A_377 = arith.constant 1 : i32
      %dma_start3A_378 = arith.constant 1 : i32
      %dma_start3A_379 = arith.constant 384 : i32
      %dma_start3A_380 = arith.constant 0 : i32
      %dma_start3A_381 = tpu.memref_slice %arg8[%dma_start3A_377, %dma_start3A_379, %dma_start3A_380] : memref<2x512x64xf32, #tpu.memory_space<vmem>> -> memref<1x128x64xf32, #tpu.memory_space<vmem>>
      %dma_start3A_382 = tpu.memref_squeeze %dma_start3A_381 : memref<1x128x64xf32, #tpu.memory_space<vmem>> -> memref<128x64xf32, #tpu.memory_space<vmem>>
      %dma_start3A_383 = arith.constant 0 : i32
      %dma_start3A_384 = tpu.memref_slice %arg7[%and3A_177, %dma_start3A_375, %dma_start3A_376, %dma_start3A_383] : memref<2x3x8x128xi32, #tpu.memory_space<vmem>> -> memref<1x1x1x128xi32, #tpu.memory_space<vmem>>
      %dma_start3A_385 = tpu.memref_squeeze %dma_start3A_384 : memref<1x1x1x128xi32, #tpu.memory_space<vmem>> -> memref<128xi32, #tpu.memory_space<vmem>>
      %dma_start3A_386 = arith.constant 0 : i32
      %dma_start3A_387 = arith.constant 0 : i32
      %dma_start3A_388 = tpu.memref_slice %arg3[%dma_start3A_386, %dma_start3A_387] : memref<42240x64xf32, #tpu.memory_space<hbm>> -> memref<42240x64xf32, #tpu.memory_space<hbm>>
      %dma_start3A_389 = tpu.memref_slice %arg10[%dma_start3A_378] : memref<2x!tpu.dma_semaphore, #tpu.memory_space<semaphore_mem>> -> memref<1x!tpu.dma_semaphore, #tpu.memory_space<semaphore_mem>>
      %dma_start3A_390 = tpu.memref_squeeze %dma_start3A_389 : memref<1x!tpu.dma_semaphore, #tpu.memory_space<semaphore_mem>> -> memref<!tpu.dma_semaphore, #tpu.memory_space<semaphore_mem>>
      tpu.enqueue_indirect_dma source(%dma_start3A_388 : memref<42240x64xf32, #tpu.memory_space<hbm>>) target(%dma_start3A_382 : memref<128x64xf32, #tpu.memory_space<vmem>>) offsets(%dma_start3A_385 : memref<128xi32, #tpu.memory_space<vmem>>) semaphore(%dma_start3A_390 : memref<!tpu.dma_semaphore, #tpu.memory_space<semaphore_mem>>)
      %dma_wait3A_391 = arith.constant 0 : i32
      %dma_wait3A_392 = arith.constant 0 : i32
      %dma_wait3A_393 = arith.constant 0 : i32
      %dma_wait3A_394 = arith.constant 0 : i32
      %dma_wait3A_395 = tpu.memref_slice %arg8[%dma_wait3A_391, %dma_wait3A_393, %dma_wait3A_394] : memref<2x512x64xf32, #tpu.memory_space<vmem>> -> memref<1x512x64xf32, #tpu.memory_space<vmem>>
      %dma_wait3A_396 = tpu.memref_squeeze %dma_wait3A_395 : memref<1x512x64xf32, #tpu.memory_space<vmem>> -> memref<512x64xf32, #tpu.memory_space<vmem>>
      %dma_wait3A_397 = arith.constant 0 : i32
      %dma_wait3A_398 = arith.constant 0 : i32
      %dma_wait3A_399 = tpu.memref_slice %arg6[%dma_wait3A_397, %dma_wait3A_398] : memref<819200x64xf32, #tpu.memory_space<hbm>> -> memref<512x64xf32, #tpu.memory_space<hbm>>
      %dma_wait3A_400 = tpu.memref_slice %arg11[%dma_wait3A_392] : memref<2x!tpu.dma_semaphore, #tpu.memory_space<semaphore_mem>> -> memref<1x!tpu.dma_semaphore, #tpu.memory_space<semaphore_mem>>
      %dma_wait3A_401 = tpu.memref_squeeze %dma_wait3A_400 : memref<1x!tpu.dma_semaphore, #tpu.memory_space<semaphore_mem>> -> memref<!tpu.dma_semaphore, #tpu.memory_space<semaphore_mem>>
      %dma_wait3A_402 = arith.constant 0 : i32
      %dma_wait3A_403 = arith.constant 0 : i32
      %dma_wait3A_404 = tpu.memref_slice %arg8[%dma_wait3A_391, %dma_wait3A_402, %dma_wait3A_403] : memref<2x512x64xf32, #tpu.memory_space<vmem>> -> memref<1x512x64xf32, #tpu.memory_space<vmem>>
      %dma_wait3A_405 = tpu.memref_squeeze %dma_wait3A_404 : memref<1x512x64xf32, #tpu.memory_space<vmem>> -> memref<512x64xf32, #tpu.memory_space<vmem>>
      %dma_wait3A_406 = arith.constant 0 : i32
      %dma_wait3A_407 = arith.constant 0 : i32
      %dma_wait3A_408 = tpu.memref_slice %arg6[%dma_wait3A_406, %dma_wait3A_407] : memref<819200x64xf32, #tpu.memory_space<hbm>> -> memref<512x64xf32, #tpu.memory_space<hbm>>
      tpu.wait_dma2 semaphore(%dma_wait3A_401 : memref<!tpu.dma_semaphore, #tpu.memory_space<semaphore_mem>>) src(%dma_wait3A_408 : memref<512x64xf32, #tpu.memory_space<hbm>>) dst(%dma_wait3A_405 : memref<512x64xf32, #tpu.memory_space<vmem>>)
      %dma_wait3A_409 = arith.constant 0 : i32
      %dma_wait3A_410 = arith.constant 0 : i32
      %dma_wait3A_411 = arith.constant 0 : i32
      %dma_wait3A_412 = arith.constant 0 : i32
      %dma_wait3A_413 = tpu.memref_slice %arg8[%dma_wait3A_409, %dma_wait3A_411, %dma_wait3A_412] : memref<2x512x64xf32, #tpu.memory_space<vmem>> -> memref<1x512x64xf32, #tpu.memory_space<vmem>>
      %dma_wait3A_414 = tpu.memref_squeeze %dma_wait3A_413 : memref<1x512x64xf32, #tpu.memory_space<vmem>> -> memref<512x64xf32, #tpu.memory_space<vmem>>
      %dma_wait3A_415 = arith.constant 0 : i32
      %dma_wait3A_416 = arith.constant 0 : i32
      %dma_wait3A_417 = tpu.memref_slice %arg6[%dma_wait3A_415, %dma_wait3A_416] : memref<819200x64xf32, #tpu.memory_space<hbm>> -> memref<512x64xf32, #tpu.memory_space<hbm>>
      %dma_wait3A_418 = tpu.memref_slice %arg11[%dma_wait3A_410] : memref<2x!tpu.dma_semaphore, #tpu.memory_space<semaphore_mem>> -> memref<1x!tpu.dma_semaphore, #tpu.memory_space<semaphore_mem>>
      %dma_wait3A_419 = tpu.memref_squeeze %dma_wait3A_418 : memref<1x!tpu.dma_semaphore, #tpu.memory_space<semaphore_mem>> -> memref<!tpu.dma_semaphore, #tpu.memory_space<semaphore_mem>>
      %dma_wait3A_420 = arith.constant 0 : i32
      %dma_wait3A_421 = arith.constant 0 : i32
      %dma_wait3A_422 = tpu.memref_slice %arg8[%dma_wait3A_409, %dma_wait3A_420, %dma_wait3A_421] : memref<2x512x64xf32, #tpu.memory_space<vmem>> -> memref<1x512x64xf32, #tpu.memory_space<vmem>>
      %dma_wait3A_423 = tpu.memref_squeeze %dma_wait3A_422 : memref<1x512x64xf32, #tpu.memory_space<vmem>> -> memref<512x64xf32, #tpu.memory_space<vmem>>
      %dma_wait3A_424 = arith.constant 0 : i32
      %dma_wait3A_425 = arith.constant 0 : i32
      %dma_wait3A_426 = tpu.memref_slice %arg6[%dma_wait3A_424, %dma_wait3A_425] : memref<819200x64xf32, #tpu.memory_space<hbm>> -> memref<512x64xf32, #tpu.memory_space<hbm>>
      tpu.wait_dma2 semaphore(%dma_wait3A_419 : memref<!tpu.dma_semaphore, #tpu.memory_space<semaphore_mem>>) src(%dma_wait3A_426 : memref<512x64xf32, #tpu.memory_space<hbm>>) dst(%dma_wait3A_423 : memref<512x64xf32, #tpu.memory_space<vmem>>)
      %mul3A_427 = arith.constant 25600 : i32
      %mul3A_428 = arith.muli %add3A, %mul3A_427 : i32
      %mul3A_429 = arith.constant 512 : i32
      %mul3A_430 = arith.muli %mul3A_172, %mul3A_429 : i32
      %add3A_431 = arith.addi %mul3A_428, %mul3A_430 : i32
      %dma_start3A_432 = arith.constant 0 : i32
      %dma_start3A_433 = arith.constant 0 : i32
      %dma_start3A_434 = arith.constant 0 : i32
      %dma_start3A_435 = arith.constant 0 : i32
      %dma_start3A_436 = tpu.memref_slice %arg8[%dma_start3A_432, %dma_start3A_434, %dma_start3A_435] : memref<2x512x64xf32, #tpu.memory_space<vmem>> -> memref<1x512x64xf32, #tpu.memory_space<vmem>>
      %dma_start3A_437 = tpu.memref_squeeze %dma_start3A_436 : memref<1x512x64xf32, #tpu.memory_space<vmem>> -> memref<512x64xf32, #tpu.memory_space<vmem>>
      %dma_start3A_438 = arith.constant 0 : i32
      %dma_start3A_439 = tpu.memref_slice %arg6[%add3A_431, %dma_start3A_438] : memref<819200x64xf32, #tpu.memory_space<hbm>> -> memref<512x64xf32, #tpu.memory_space<hbm>>
      %dma_start3A_440 = tpu.memref_slice %arg12[%dma_start3A_433] : memref<2x!tpu.dma_semaphore, #tpu.memory_space<semaphore_mem>> -> memref<1x!tpu.dma_semaphore, #tpu.memory_space<semaphore_mem>>
      %dma_start3A_441 = tpu.memref_squeeze %dma_start3A_440 : memref<1x!tpu.dma_semaphore, #tpu.memory_space<semaphore_mem>> -> memref<!tpu.dma_semaphore, #tpu.memory_space<semaphore_mem>>
      %dma_start3A_442 = arith.constant 0 : i32
      %dma_start3A_443 = tpu.memref_slice %arg6[%add3A_431, %dma_start3A_442] : memref<819200x64xf32, #tpu.memory_space<hbm>> -> memref<512x64xf32, #tpu.memory_space<hbm>>
      %dma_start3A_444 = arith.constant 0 : i32
      %dma_start3A_445 = arith.constant 0 : i32
      %dma_start3A_446 = tpu.memref_slice %arg8[%dma_start3A_432, %dma_start3A_444, %dma_start3A_445] : memref<2x512x64xf32, #tpu.memory_space<vmem>> -> memref<1x512x64xf32, #tpu.memory_space<vmem>>
      %dma_start3A_447 = tpu.memref_squeeze %dma_start3A_446 : memref<1x512x64xf32, #tpu.memory_space<vmem>> -> memref<512x64xf32, #tpu.memory_space<vmem>>
      tpu.enqueue_dma source(%dma_start3A_447 : memref<512x64xf32, #tpu.memory_space<vmem>>) target(%dma_start3A_443 : memref<512x64xf32, #tpu.memory_space<hbm>>) target_semaphore(%dma_start3A_441 : memref<!tpu.dma_semaphore, #tpu.memory_space<semaphore_mem>>)
      %dma_wait3A_448 = arith.constant 1 : i32
      %dma_wait3A_449 = arith.constant 1 : i32
      %dma_wait3A_450 = arith.constant 0 : i32
      %dma_wait3A_451 = arith.constant 0 : i32
      %dma_wait3A_452 = tpu.memref_slice %arg8[%dma_wait3A_448, %dma_wait3A_450, %dma_wait3A_451] : memref<2x512x64xf32, #tpu.memory_space<vmem>> -> memref<1x512x64xf32, #tpu.memory_space<vmem>>
      %dma_wait3A_453 = tpu.memref_squeeze %dma_wait3A_452 : memref<1x512x64xf32, #tpu.memory_space<vmem>> -> memref<512x64xf32, #tpu.memory_space<vmem>>
      %dma_wait3A_454 = arith.constant 0 : i32
      %dma_wait3A_455 = arith.constant 0 : i32
      %dma_wait3A_456 = tpu.memref_slice %arg6[%dma_wait3A_454, %dma_wait3A_455] : memref<819200x64xf32, #tpu.memory_space<hbm>> -> memref<512x64xf32, #tpu.memory_space<hbm>>
      %dma_wait3A_457 = tpu.memref_slice %arg10[%dma_wait3A_449] : memref<2x!tpu.dma_semaphore, #tpu.memory_space<semaphore_mem>> -> memref<1x!tpu.dma_semaphore, #tpu.memory_space<semaphore_mem>>
      %dma_wait3A_458 = tpu.memref_squeeze %dma_wait3A_457 : memref<1x!tpu.dma_semaphore, #tpu.memory_space<semaphore_mem>> -> memref<!tpu.dma_semaphore, #tpu.memory_space<semaphore_mem>>
      %dma_wait3A_459 = arith.constant 0 : i32
      %dma_wait3A_460 = arith.constant 0 : i32
      %dma_wait3A_461 = tpu.memref_slice %arg8[%dma_wait3A_448, %dma_wait3A_459, %dma_wait3A_460] : memref<2x512x64xf32, #tpu.memory_space<vmem>> -> memref<1x512x64xf32, #tpu.memory_space<vmem>>
      %dma_wait3A_462 = tpu.memref_squeeze %dma_wait3A_461 : memref<1x512x64xf32, #tpu.memory_space<vmem>> -> memref<512x64xf32, #tpu.memory_space<vmem>>
      %dma_wait3A_463 = arith.constant 0 : i32
      %dma_wait3A_464 = arith.constant 0 : i32
      %dma_wait3A_465 = tpu.memref_slice %arg6[%dma_wait3A_463, %dma_wait3A_464] : memref<819200x64xf32, #tpu.memory_space<hbm>> -> memref<512x64xf32, #tpu.memory_space<hbm>>
      tpu.wait_dma2 semaphore(%dma_wait3A_458 : memref<!tpu.dma_semaphore, #tpu.memory_space<semaphore_mem>>) src(%dma_wait3A_465 : memref<512x64xf32, #tpu.memory_space<hbm>>) dst(%dma_wait3A_462 : memref<512x64xf32, #tpu.memory_space<vmem>>)
      %dma_start3A_466 = arith.constant 1 : i32
      %dma_start3A_467 = arith.constant 4 : i32
      %dma_start3A_468 = arith.constant 1 : i32
      %dma_start3A_469 = arith.constant 1 : i32
      %dma_start3A_470 = arith.constant 0 : i32
      %dma_start3A_471 = arith.constant 0 : i32
      %dma_start3A_472 = tpu.memref_slice %arg8[%dma_start3A_468, %dma_start3A_470, %dma_start3A_471] : memref<2x512x64xf32, #tpu.memory_space<vmem>> -> memref<1x128x64xf32, #tpu.memory_space<vmem>>
      %dma_start3A_473 = tpu.memref_squeeze %dma_start3A_472 : memref<1x128x64xf32, #tpu.memory_space<vmem>> -> memref<128x64xf32, #tpu.memory_space<vmem>>
      %dma_start3A_474 = arith.constant 0 : i32
      %dma_start3A_475 = tpu.memref_slice %arg7[%and3A_177, %dma_start3A_466, %dma_start3A_467, %dma_start3A_474] : memref<2x3x8x128xi32, #tpu.memory_space<vmem>> -> memref<1x1x1x128xi32, #tpu.memory_space<vmem>>
      %dma_start3A_476 = tpu.memref_squeeze %dma_start3A_475 : memref<1x1x1x128xi32, #tpu.memory_space<vmem>> -> memref<128xi32, #tpu.memory_space<vmem>>
      %dma_start3A_477 = arith.constant 0 : i32
      %dma_start3A_478 = arith.constant 0 : i32
      %dma_start3A_479 = tpu.memref_slice %arg4[%dma_start3A_477, %dma_start3A_478] : memref<72960x64xf32, #tpu.memory_space<hbm>> -> memref<72960x64xf32, #tpu.memory_space<hbm>>
      %dma_start3A_480 = tpu.memref_slice %arg11[%dma_start3A_469] : memref<2x!tpu.dma_semaphore, #tpu.memory_space<semaphore_mem>> -> memref<1x!tpu.dma_semaphore, #tpu.memory_space<semaphore_mem>>
      %dma_start3A_481 = tpu.memref_squeeze %dma_start3A_480 : memref<1x!tpu.dma_semaphore, #tpu.memory_space<semaphore_mem>> -> memref<!tpu.dma_semaphore, #tpu.memory_space<semaphore_mem>>
      tpu.enqueue_indirect_dma source(%dma_start3A_479 : memref<72960x64xf32, #tpu.memory_space<hbm>>) target(%dma_start3A_473 : memref<128x64xf32, #tpu.memory_space<vmem>>) offsets(%dma_start3A_476 : memref<128xi32, #tpu.memory_space<vmem>>) semaphore(%dma_start3A_481 : memref<!tpu.dma_semaphore, #tpu.memory_space<semaphore_mem>>) {add = true}
      %dma_start3A_482 = arith.constant 1 : i32
      %dma_start3A_483 = arith.constant 5 : i32
      %dma_start3A_484 = arith.constant 1 : i32
      %dma_start3A_485 = arith.constant 1 : i32
      %dma_start3A_486 = arith.constant 128 : i32
      %dma_start3A_487 = arith.constant 0 : i32
      %dma_start3A_488 = tpu.memref_slice %arg8[%dma_start3A_484, %dma_start3A_486, %dma_start3A_487] : memref<2x512x64xf32, #tpu.memory_space<vmem>> -> memref<1x128x64xf32, #tpu.memory_space<vmem>>
      %dma_start3A_489 = tpu.memref_squeeze %dma_start3A_488 : memref<1x128x64xf32, #tpu.memory_space<vmem>> -> memref<128x64xf32, #tpu.memory_space<vmem>>
      %dma_start3A_490 = arith.constant 0 : i32
      %dma_start3A_491 = tpu.memref_slice %arg7[%and3A_177, %dma_start3A_482, %dma_start3A_483, %dma_start3A_490] : memref<2x3x8x128xi32, #tpu.memory_space<vmem>> -> memref<1x1x1x128xi32, #tpu.memory_space<vmem>>
      %dma_start3A_492 = tpu.memref_squeeze %dma_start3A_491 : memref<1x1x1x128xi32, #tpu.memory_space<vmem>> -> memref<128xi32, #tpu.memory_space<vmem>>
      %dma_start3A_493 = arith.constant 0 : i32
      %dma_start3A_494 = arith.constant 0 : i32
      %dma_start3A_495 = tpu.memref_slice %arg4[%dma_start3A_493, %dma_start3A_494] : memref<72960x64xf32, #tpu.memory_space<hbm>> -> memref<72960x64xf32, #tpu.memory_space<hbm>>
      %dma_start3A_496 = tpu.memref_slice %arg11[%dma_start3A_485] : memref<2x!tpu.dma_semaphore, #tpu.memory_space<semaphore_mem>> -> memref<1x!tpu.dma_semaphore, #tpu.memory_space<semaphore_mem>>
      %dma_start3A_497 = tpu.memref_squeeze %dma_start3A_496 : memref<1x!tpu.dma_semaphore, #tpu.memory_space<semaphore_mem>> -> memref<!tpu.dma_semaphore, #tpu.memory_space<semaphore_mem>>
      tpu.enqueue_indirect_dma source(%dma_start3A_495 : memref<72960x64xf32, #tpu.memory_space<hbm>>) target(%dma_start3A_489 : memref<128x64xf32, #tpu.memory_space<vmem>>) offsets(%dma_start3A_492 : memref<128xi32, #tpu.memory_space<vmem>>) semaphore(%dma_start3A_497 : memref<!tpu.dma_semaphore, #tpu.memory_space<semaphore_mem>>) {add = true}
      %dma_start3A_498 = arith.constant 1 : i32
      %dma_start3A_499 = arith.constant 6 : i32
      %dma_start3A_500 = arith.constant 1 : i32
      %dma_start3A_501 = arith.constant 1 : i32
      %dma_start3A_502 = arith.constant 256 : i32
      %dma_start3A_503 = arith.constant 0 : i32
      %dma_start3A_504 = tpu.memref_slice %arg8[%dma_start3A_500, %dma_start3A_502, %dma_start3A_503] : memref<2x512x64xf32, #tpu.memory_space<vmem>> -> memref<1x128x64xf32, #tpu.memory_space<vmem>>
      %dma_start3A_505 = tpu.memref_squeeze %dma_start3A_504 : memref<1x128x64xf32, #tpu.memory_space<vmem>> -> memref<128x64xf32, #tpu.memory_space<vmem>>
      %dma_start3A_506 = arith.constant 0 : i32
      %dma_start3A_507 = tpu.memref_slice %arg7[%and3A_177, %dma_start3A_498, %dma_start3A_499, %dma_start3A_506] : memref<2x3x8x128xi32, #tpu.memory_space<vmem>> -> memref<1x1x1x128xi32, #tpu.memory_space<vmem>>
      %dma_start3A_508 = tpu.memref_squeeze %dma_start3A_507 : memref<1x1x1x128xi32, #tpu.memory_space<vmem>> -> memref<128xi32, #tpu.memory_space<vmem>>
      %dma_start3A_509 = arith.constant 0 : i32
      %dma_start3A_510 = arith.constant 0 : i32
      %dma_start3A_511 = tpu.memref_slice %arg4[%dma_start3A_509, %dma_start3A_510] : memref<72960x64xf32, #tpu.memory_space<hbm>> -> memref<72960x64xf32, #tpu.memory_space<hbm>>
      %dma_start3A_512 = tpu.memref_slice %arg11[%dma_start3A_501] : memref<2x!tpu.dma_semaphore, #tpu.memory_space<semaphore_mem>> -> memref<1x!tpu.dma_semaphore, #tpu.memory_space<semaphore_mem>>
      %dma_start3A_513 = tpu.memref_squeeze %dma_start3A_512 : memref<1x!tpu.dma_semaphore, #tpu.memory_space<semaphore_mem>> -> memref<!tpu.dma_semaphore, #tpu.memory_space<semaphore_mem>>
      tpu.enqueue_indirect_dma source(%dma_start3A_511 : memref<72960x64xf32, #tpu.memory_space<hbm>>) target(%dma_start3A_505 : memref<128x64xf32, #tpu.memory_space<vmem>>) offsets(%dma_start3A_508 : memref<128xi32, #tpu.memory_space<vmem>>) semaphore(%dma_start3A_513 : memref<!tpu.dma_semaphore, #tpu.memory_space<semaphore_mem>>) {add = true}
      %dma_start3A_514 = arith.constant 1 : i32
      %dma_start3A_515 = arith.constant 7 : i32
      %dma_start3A_516 = arith.constant 1 : i32
      %dma_start3A_517 = arith.constant 1 : i32
      %dma_start3A_518 = arith.constant 384 : i32
      %dma_start3A_519 = arith.constant 0 : i32
      %dma_start3A_520 = tpu.memref_slice %arg8[%dma_start3A_516, %dma_start3A_518, %dma_start3A_519] : memref<2x512x64xf32, #tpu.memory_space<vmem>> -> memref<1x128x64xf32, #tpu.memory_space<vmem>>
      %dma_start3A_521 = tpu.memref_squeeze %dma_start3A_520 : memref<1x128x64xf32, #tpu.memory_space<vmem>> -> memref<128x64xf32, #tpu.memory_space<vmem>>
      %dma_start3A_522 = arith.constant 0 : i32
      %dma_start3A_523 = tpu.memref_slice %arg7[%and3A_177, %dma_start3A_514, %dma_start3A_515, %dma_start3A_522] : memref<2x3x8x128xi32, #tpu.memory_space<vmem>> -> memref<1x1x1x128xi32, #tpu.memory_space<vmem>>
      %dma_start3A_524 = tpu.memref_squeeze %dma_start3A_523 : memref<1x1x1x128xi32, #tpu.memory_space<vmem>> -> memref<128xi32, #tpu.memory_space<vmem>>
      %dma_start3A_525 = arith.constant 0 : i32
      %dma_start3A_526 = arith.constant 0 : i32
      %dma_start3A_527 = tpu.memref_slice %arg4[%dma_start3A_525, %dma_start3A_526] : memref<72960x64xf32, #tpu.memory_space<hbm>> -> memref<72960x64xf32, #tpu.memory_space<hbm>>
      %dma_start3A_528 = tpu.memref_slice %arg11[%dma_start3A_517] : memref<2x!tpu.dma_semaphore, #tpu.memory_space<semaphore_mem>> -> memref<1x!tpu.dma_semaphore, #tpu.memory_space<semaphore_mem>>
      %dma_start3A_529 = tpu.memref_squeeze %dma_start3A_528 : memref<1x!tpu.dma_semaphore, #tpu.memory_space<semaphore_mem>> -> memref<!tpu.dma_semaphore, #tpu.memory_space<semaphore_mem>>
      tpu.enqueue_indirect_dma source(%dma_start3A_527 : memref<72960x64xf32, #tpu.memory_space<hbm>>) target(%dma_start3A_521 : memref<128x64xf32, #tpu.memory_space<vmem>>) offsets(%dma_start3A_524 : memref<128xi32, #tpu.memory_space<vmem>>) semaphore(%dma_start3A_529 : memref<!tpu.dma_semaphore, #tpu.memory_space<semaphore_mem>>) {add = true}
      %dma_start3A_530 = arith.constant 2 : i32
      %dma_start3A_531 = arith.constant 4 : i32
      %dma_start3A_532 = arith.constant 1 : i32
      %dma_start3A_533 = arith.constant 1 : i32
      %dma_start3A_534 = arith.constant 0 : i32
      %dma_start3A_535 = arith.constant 0 : i32
      %dma_start3A_536 = tpu.memref_slice %arg8[%dma_start3A_532, %dma_start3A_534, %dma_start3A_535] : memref<2x512x64xf32, #tpu.memory_space<vmem>> -> memref<1x128x64xf32, #tpu.memory_space<vmem>>
      %dma_start3A_537 = tpu.memref_squeeze %dma_start3A_536 : memref<1x128x64xf32, #tpu.memory_space<vmem>> -> memref<128x64xf32, #tpu.memory_space<vmem>>
      %dma_start3A_538 = arith.constant 0 : i32
      %dma_start3A_539 = tpu.memref_slice %arg7[%and3A_177, %dma_start3A_530, %dma_start3A_531, %dma_start3A_538] : memref<2x3x8x128xi32, #tpu.memory_space<vmem>> -> memref<1x1x1x128xi32, #tpu.memory_space<vmem>>
      %dma_start3A_540 = tpu.memref_squeeze %dma_start3A_539 : memref<1x1x1x128xi32, #tpu.memory_space<vmem>> -> memref<128xi32, #tpu.memory_space<vmem>>
      %dma_start3A_541 = arith.constant 0 : i32
      %dma_start3A_542 = arith.constant 0 : i32
      %dma_start3A_543 = tpu.memref_slice %arg5[%dma_start3A_541, %dma_start3A_542] : memref<65280x64xf32, #tpu.memory_space<hbm>> -> memref<65280x64xf32, #tpu.memory_space<hbm>>
      %dma_start3A_544 = tpu.memref_slice %arg11[%dma_start3A_533] : memref<2x!tpu.dma_semaphore, #tpu.memory_space<semaphore_mem>> -> memref<1x!tpu.dma_semaphore, #tpu.memory_space<semaphore_mem>>
      %dma_start3A_545 = tpu.memref_squeeze %dma_start3A_544 : memref<1x!tpu.dma_semaphore, #tpu.memory_space<semaphore_mem>> -> memref<!tpu.dma_semaphore, #tpu.memory_space<semaphore_mem>>
      tpu.enqueue_indirect_dma source(%dma_start3A_543 : memref<65280x64xf32, #tpu.memory_space<hbm>>) target(%dma_start3A_537 : memref<128x64xf32, #tpu.memory_space<vmem>>) offsets(%dma_start3A_540 : memref<128xi32, #tpu.memory_space<vmem>>) semaphore(%dma_start3A_545 : memref<!tpu.dma_semaphore, #tpu.memory_space<semaphore_mem>>) {add = true}
      %dma_start3A_546 = arith.constant 2 : i32
      %dma_start3A_547 = arith.constant 5 : i32
      %dma_start3A_548 = arith.constant 1 : i32
      %dma_start3A_549 = arith.constant 1 : i32
      %dma_start3A_550 = arith.constant 128 : i32
      %dma_start3A_551 = arith.constant 0 : i32
      %dma_start3A_552 = tpu.memref_slice %arg8[%dma_start3A_548, %dma_start3A_550, %dma_start3A_551] : memref<2x512x64xf32, #tpu.memory_space<vmem>> -> memref<1x128x64xf32, #tpu.memory_space<vmem>>
      %dma_start3A_553 = tpu.memref_squeeze %dma_start3A_552 : memref<1x128x64xf32, #tpu.memory_space<vmem>> -> memref<128x64xf32, #tpu.memory_space<vmem>>
      %dma_start3A_554 = arith.constant 0 : i32
      %dma_start3A_555 = tpu.memref_slice %arg7[%and3A_177, %dma_start3A_546, %dma_start3A_547, %dma_start3A_554] : memref<2x3x8x128xi32, #tpu.memory_space<vmem>> -> memref<1x1x1x128xi32, #tpu.memory_space<vmem>>
      %dma_start3A_556 = tpu.memref_squeeze %dma_start3A_555 : memref<1x1x1x128xi32, #tpu.memory_space<vmem>> -> memref<128xi32, #tpu.memory_space<vmem>>
      %dma_start3A_557 = arith.constant 0 : i32
      %dma_start3A_558 = arith.constant 0 : i32
      %dma_start3A_559 = tpu.memref_slice %arg5[%dma_start3A_557, %dma_start3A_558] : memref<65280x64xf32, #tpu.memory_space<hbm>> -> memref<65280x64xf32, #tpu.memory_space<hbm>>
      %dma_start3A_560 = tpu.memref_slice %arg11[%dma_start3A_549] : memref<2x!tpu.dma_semaphore, #tpu.memory_space<semaphore_mem>> -> memref<1x!tpu.dma_semaphore, #tpu.memory_space<semaphore_mem>>
      %dma_start3A_561 = tpu.memref_squeeze %dma_start3A_560 : memref<1x!tpu.dma_semaphore, #tpu.memory_space<semaphore_mem>> -> memref<!tpu.dma_semaphore, #tpu.memory_space<semaphore_mem>>
      tpu.enqueue_indirect_dma source(%dma_start3A_559 : memref<65280x64xf32, #tpu.memory_space<hbm>>) target(%dma_start3A_553 : memref<128x64xf32, #tpu.memory_space<vmem>>) offsets(%dma_start3A_556 : memref<128xi32, #tpu.memory_space<vmem>>) semaphore(%dma_start3A_561 : memref<!tpu.dma_semaphore, #tpu.memory_space<semaphore_mem>>) {add = true}
      %dma_start3A_562 = arith.constant 2 : i32
      %dma_start3A_563 = arith.constant 6 : i32
      %dma_start3A_564 = arith.constant 1 : i32
      %dma_start3A_565 = arith.constant 1 : i32
      %dma_start3A_566 = arith.constant 256 : i32
      %dma_start3A_567 = arith.constant 0 : i32
      %dma_start3A_568 = tpu.memref_slice %arg8[%dma_start3A_564, %dma_start3A_566, %dma_start3A_567] : memref<2x512x64xf32, #tpu.memory_space<vmem>> -> memref<1x128x64xf32, #tpu.memory_space<vmem>>
      %dma_start3A_569 = tpu.memref_squeeze %dma_start3A_568 : memref<1x128x64xf32, #tpu.memory_space<vmem>> -> memref<128x64xf32, #tpu.memory_space<vmem>>
      %dma_start3A_570 = arith.constant 0 : i32
      %dma_start3A_571 = tpu.memref_slice %arg7[%and3A_177, %dma_start3A_562, %dma_start3A_563, %dma_start3A_570] : memref<2x3x8x128xi32, #tpu.memory_space<vmem>> -> memref<1x1x1x128xi32, #tpu.memory_space<vmem>>
      %dma_start3A_572 = tpu.memref_squeeze %dma_start3A_571 : memref<1x1x1x128xi32, #tpu.memory_space<vmem>> -> memref<128xi32, #tpu.memory_space<vmem>>
      %dma_start3A_573 = arith.constant 0 : i32
      %dma_start3A_574 = arith.constant 0 : i32
      %dma_start3A_575 = tpu.memref_slice %arg5[%dma_start3A_573, %dma_start3A_574] : memref<65280x64xf32, #tpu.memory_space<hbm>> -> memref<65280x64xf32, #tpu.memory_space<hbm>>
      %dma_start3A_576 = tpu.memref_slice %arg11[%dma_start3A_565] : memref<2x!tpu.dma_semaphore, #tpu.memory_space<semaphore_mem>> -> memref<1x!tpu.dma_semaphore, #tpu.memory_space<semaphore_mem>>
      %dma_start3A_577 = tpu.memref_squeeze %dma_start3A_576 : memref<1x!tpu.dma_semaphore, #tpu.memory_space<semaphore_mem>> -> memref<!tpu.dma_semaphore, #tpu.memory_space<semaphore_mem>>
      tpu.enqueue_indirect_dma source(%dma_start3A_575 : memref<65280x64xf32, #tpu.memory_space<hbm>>) target(%dma_start3A_569 : memref<128x64xf32, #tpu.memory_space<vmem>>) offsets(%dma_start3A_572 : memref<128xi32, #tpu.memory_space<vmem>>) semaphore(%dma_start3A_577 : memref<!tpu.dma_semaphore, #tpu.memory_space<semaphore_mem>>) {add = true}
      %dma_start3A_578 = arith.constant 2 : i32
      %dma_start3A_579 = arith.constant 7 : i32
      %dma_start3A_580 = arith.constant 1 : i32
      %dma_start3A_581 = arith.constant 1 : i32
      %dma_start3A_582 = arith.constant 384 : i32
      %dma_start3A_583 = arith.constant 0 : i32
      %dma_start3A_584 = tpu.memref_slice %arg8[%dma_start3A_580, %dma_start3A_582, %dma_start3A_583] : memref<2x512x64xf32, #tpu.memory_space<vmem>> -> memref<1x128x64xf32, #tpu.memory_space<vmem>>
      %dma_start3A_585 = tpu.memref_squeeze %dma_start3A_584 : memref<1x128x64xf32, #tpu.memory_space<vmem>> -> memref<128x64xf32, #tpu.memory_space<vmem>>
      %dma_start3A_586 = arith.constant 0 : i32
      %dma_start3A_587 = tpu.memref_slice %arg7[%and3A_177, %dma_start3A_578, %dma_start3A_579, %dma_start3A_586] : memref<2x3x8x128xi32, #tpu.memory_space<vmem>> -> memref<1x1x1x128xi32, #tpu.memory_space<vmem>>
      %dma_start3A_588 = tpu.memref_squeeze %dma_start3A_587 : memref<1x1x1x128xi32, #tpu.memory_space<vmem>> -> memref<128xi32, #tpu.memory_space<vmem>>
      %dma_start3A_589 = arith.constant 0 : i32
      %dma_start3A_590 = arith.constant 0 : i32
      %dma_start3A_591 = tpu.memref_slice %arg5[%dma_start3A_589, %dma_start3A_590] : memref<65280x64xf32, #tpu.memory_space<hbm>> -> memref<65280x64xf32, #tpu.memory_space<hbm>>
      %dma_start3A_592 = tpu.memref_slice %arg11[%dma_start3A_581] : memref<2x!tpu.dma_semaphore, #tpu.memory_space<semaphore_mem>> -> memref<1x!tpu.dma_semaphore, #tpu.memory_space<semaphore_mem>>
      %dma_start3A_593 = tpu.memref_squeeze %dma_start3A_592 : memref<1x!tpu.dma_semaphore, #tpu.memory_space<semaphore_mem>> -> memref<!tpu.dma_semaphore, #tpu.memory_space<semaphore_mem>>
      tpu.enqueue_indirect_dma source(%dma_start3A_591 : memref<65280x64xf32, #tpu.memory_space<hbm>>) target(%dma_start3A_585 : memref<128x64xf32, #tpu.memory_space<vmem>>) offsets(%dma_start3A_588 : memref<128xi32, #tpu.memory_space<vmem>>) semaphore(%dma_start3A_593 : memref<!tpu.dma_semaphore, #tpu.memory_space<semaphore_mem>>) {add = true}
      %add3A_594 = arith.constant 1 : i32
      %add3A_595 = arith.addi %scan3A_170, %add3A_594 : i32
      %lt3A = arith.constant 25 : i32
      %lt3A_596 = arith.cmpi slt, %add3A_595, %lt3A : i32
      %convert_element_type3A_597 = arith.extui %lt3A_596 : i1 to i32
      %cond3A_598 = arith.constant 0 : i32
      %cond3A_599 = arith.cmpi ne, %convert_element_type3A_597, %cond3A_598 : i32
      scf.if %cond3A_599 {
        %dma_wait3A_664 = arith.constant 0 : i32
        %dma_wait3A_665 = arith.constant 0 : i32
        %dma_wait3A_666 = arith.constant 0 : i32
        %dma_wait3A_667 = arith.constant 0 : i32
        %dma_wait3A_668 = tpu.memref_slice %arg7[%dma_wait3A_664, %dma_wait3A_665, %dma_wait3A_666, %dma_wait3A_667] : memref<2x3x8x128xi32, #tpu.memory_space<vmem>> -> memref<1x3x8x128xi32, #tpu.memory_space<vmem>>
        %dma_wait3A_669 = tpu.memref_squeeze %dma_wait3A_668 : memref<1x3x8x128xi32, #tpu.memory_space<vmem>> -> memref<3x8x128xi32, #tpu.memory_space<vmem>>
        %dma_wait3A_670 = arith.constant 0 : i32
        %dma_wait3A_671 = arith.constant 0 : i32
        %dma_wait3A_672 = arith.constant 0 : i32
        %dma_wait3A_673 = tpu.memref_slice %arg2[%dma_wait3A_670, %dma_wait3A_671, %dma_wait3A_672] : memref<3x6400x128xi32, #tpu.memory_space<hbm>> -> memref<3x8x128xi32, #tpu.memory_space<hbm>>
        %dma_wait3A_674 = arith.constant 0 : i32
        %dma_wait3A_675 = arith.constant 0 : i32
        %dma_wait3A_676 = arith.constant 0 : i32
        %dma_wait3A_677 = tpu.memref_slice %arg7[%dma_wait3A_664, %dma_wait3A_674, %dma_wait3A_675, %dma_wait3A_676] : memref<2x3x8x128xi32, #tpu.memory_space<vmem>> -> memref<1x3x8x128xi32, #tpu.memory_space<vmem>>
        %dma_wait3A_678 = tpu.memref_squeeze %dma_wait3A_677 : memref<1x3x8x128xi32, #tpu.memory_space<vmem>> -> memref<3x8x128xi32, #tpu.memory_space<vmem>>
        %dma_wait3A_679 = arith.constant 0 : i32
        %dma_wait3A_680 = arith.constant 0 : i32
        %dma_wait3A_681 = arith.constant 0 : i32
        %dma_wait3A_682 = tpu.memref_slice %arg2[%dma_wait3A_679, %dma_wait3A_680, %dma_wait3A_681] : memref<3x6400x128xi32, #tpu.memory_space<hbm>> -> memref<3x8x128xi32, #tpu.memory_space<hbm>>
        tpu.wait_dma2 semaphore(%arg9 : memref<!tpu.dma_semaphore, #tpu.memory_space<semaphore_mem>>) src(%dma_wait3A_682 : memref<3x8x128xi32, #tpu.memory_space<hbm>>) dst(%dma_wait3A_678 : memref<3x8x128xi32, #tpu.memory_space<vmem>>)
        %dma_wait3A_683 = arith.constant 0 : i32
        %dma_wait3A_684 = arith.constant 0 : i32
        %dma_wait3A_685 = arith.constant 0 : i32
        %dma_wait3A_686 = arith.constant 0 : i32
        %dma_wait3A_687 = tpu.memref_slice %arg8[%dma_wait3A_683, %dma_wait3A_685, %dma_wait3A_686] : memref<2x512x64xf32, #tpu.memory_space<vmem>> -> memref<1x512x64xf32, #tpu.memory_space<vmem>>
        %dma_wait3A_688 = tpu.memref_squeeze %dma_wait3A_687 : memref<1x512x64xf32, #tpu.memory_space<vmem>> -> memref<512x64xf32, #tpu.memory_space<vmem>>
        %dma_wait3A_689 = arith.constant 0 : i32
        %dma_wait3A_690 = arith.constant 0 : i32
        %dma_wait3A_691 = tpu.memref_slice %arg6[%dma_wait3A_689, %dma_wait3A_690] : memref<819200x64xf32, #tpu.memory_space<hbm>> -> memref<512x64xf32, #tpu.memory_space<hbm>>
        %dma_wait3A_692 = tpu.memref_slice %arg12[%dma_wait3A_684] : memref<2x!tpu.dma_semaphore, #tpu.memory_space<semaphore_mem>> -> memref<1x!tpu.dma_semaphore, #tpu.memory_space<semaphore_mem>>
        %dma_wait3A_693 = tpu.memref_squeeze %dma_wait3A_692 : memref<1x!tpu.dma_semaphore, #tpu.memory_space<semaphore_mem>> -> memref<!tpu.dma_semaphore, #tpu.memory_space<semaphore_mem>>
        %dma_wait3A_694 = arith.constant 0 : i32
        %dma_wait3A_695 = arith.constant 0 : i32
        %dma_wait3A_696 = tpu.memref_slice %arg6[%dma_wait3A_694, %dma_wait3A_695] : memref<819200x64xf32, #tpu.memory_space<hbm>> -> memref<512x64xf32, #tpu.memory_space<hbm>>
        %dma_wait3A_697 = arith.constant 0 : i32
        %dma_wait3A_698 = arith.constant 0 : i32
        %dma_wait3A_699 = tpu.memref_slice %arg8[%dma_wait3A_683, %dma_wait3A_697, %dma_wait3A_698] : memref<2x512x64xf32, #tpu.memory_space<vmem>> -> memref<1x512x64xf32, #tpu.memory_space<vmem>>
        %dma_wait3A_700 = tpu.memref_squeeze %dma_wait3A_699 : memref<1x512x64xf32, #tpu.memory_space<vmem>> -> memref<512x64xf32, #tpu.memory_space<vmem>>
        tpu.wait_dma2 semaphore(%dma_wait3A_693 : memref<!tpu.dma_semaphore, #tpu.memory_space<semaphore_mem>>) src(%dma_wait3A_700 : memref<512x64xf32, #tpu.memory_space<vmem>>) dst(%dma_wait3A_696 : memref<512x64xf32, #tpu.memory_space<hbm>>)
        %dma_start3A_701 = arith.constant 0 : i32
        %dma_start3A_702 = arith.constant 0 : i32
        %dma_start3A_703 = arith.constant 0 : i32
        %dma_start3A_704 = arith.constant 0 : i32
        %dma_start3A_705 = arith.constant 0 : i32
        %dma_start3A_706 = arith.constant 0 : i32
        %dma_start3A_707 = tpu.memref_slice %arg8[%dma_start3A_703, %dma_start3A_705, %dma_start3A_706] : memref<2x512x64xf32, #tpu.memory_space<vmem>> -> memref<1x128x64xf32, #tpu.memory_space<vmem>>
        %dma_start3A_708 = tpu.memref_squeeze %dma_start3A_707 : memref<1x128x64xf32, #tpu.memory_space<vmem>> -> memref<128x64xf32, #tpu.memory_space<vmem>>
        %dma_start3A_709 = arith.constant 0 : i32
        %dma_start3A_710 = tpu.memref_slice %arg7[%sub3A_178, %dma_start3A_701, %dma_start3A_702, %dma_start3A_709] : memref<2x3x8x128xi32, #tpu.memory_space<vmem>> -> memref<1x1x1x128xi32, #tpu.memory_space<vmem>>
        %dma_start3A_711 = tpu.memref_squeeze %dma_start3A_710 : memref<1x1x1x128xi32, #tpu.memory_space<vmem>> -> memref<128xi32, #tpu.memory_space<vmem>>
        %dma_start3A_712 = arith.constant 0 : i32
        %dma_start3A_713 = arith.constant 0 : i32
        %dma_start3A_714 = tpu.memref_slice %arg3[%dma_start3A_712, %dma_start3A_713] : memref<42240x64xf32, #tpu.memory_space<hbm>> -> memref<42240x64xf32, #tpu.memory_space<hbm>>
        %dma_start3A_715 = tpu.memref_slice %arg10[%dma_start3A_704] : memref<2x!tpu.dma_semaphore, #tpu.memory_space<semaphore_mem>> -> memref<1x!tpu.dma_semaphore, #tpu.memory_space<semaphore_mem>>
        %dma_start3A_716 = tpu.memref_squeeze %dma_start3A_715 : memref<1x!tpu.dma_semaphore, #tpu.memory_space<semaphore_mem>> -> memref<!tpu.dma_semaphore, #tpu.memory_space<semaphore_mem>>
        tpu.enqueue_indirect_dma source(%dma_start3A_714 : memref<42240x64xf32, #tpu.memory_space<hbm>>) target(%dma_start3A_708 : memref<128x64xf32, #tpu.memory_space<vmem>>) offsets(%dma_start3A_711 : memref<128xi32, #tpu.memory_space<vmem>>) semaphore(%dma_start3A_716 : memref<!tpu.dma_semaphore, #tpu.memory_space<semaphore_mem>>)
        %dma_start3A_717 = arith.constant 0 : i32
        %dma_start3A_718 = arith.constant 1 : i32
        %dma_start3A_719 = arith.constant 0 : i32
        %dma_start3A_720 = arith.constant 0 : i32
        %dma_start3A_721 = arith.constant 128 : i32
        %dma_start3A_722 = arith.constant 0 : i32
        %dma_start3A_723 = tpu.memref_slice %arg8[%dma_start3A_719, %dma_start3A_721, %dma_start3A_722] : memref<2x512x64xf32, #tpu.memory_space<vmem>> -> memref<1x128x64xf32, #tpu.memory_space<vmem>>
        %dma_start3A_724 = tpu.memref_squeeze %dma_start3A_723 : memref<1x128x64xf32, #tpu.memory_space<vmem>> -> memref<128x64xf32, #tpu.memory_space<vmem>>
        %dma_start3A_725 = arith.constant 0 : i32
        %dma_start3A_726 = tpu.memref_slice %arg7[%sub3A_178, %dma_start3A_717, %dma_start3A_718, %dma_start3A_725] : memref<2x3x8x128xi32, #tpu.memory_space<vmem>> -> memref<1x1x1x128xi32, #tpu.memory_space<vmem>>
        %dma_start3A_727 = tpu.memref_squeeze %dma_start3A_726 : memref<1x1x1x128xi32, #tpu.memory_space<vmem>> -> memref<128xi32, #tpu.memory_space<vmem>>
        %dma_start3A_728 = arith.constant 0 : i32
        %dma_start3A_729 = arith.constant 0 : i32
        %dma_start3A_730 = tpu.memref_slice %arg3[%dma_start3A_728, %dma_start3A_729] : memref<42240x64xf32, #tpu.memory_space<hbm>> -> memref<42240x64xf32, #tpu.memory_space<hbm>>
        %dma_start3A_731 = tpu.memref_slice %arg10[%dma_start3A_720] : memref<2x!tpu.dma_semaphore, #tpu.memory_space<semaphore_mem>> -> memref<1x!tpu.dma_semaphore, #tpu.memory_space<semaphore_mem>>
        %dma_start3A_732 = tpu.memref_squeeze %dma_start3A_731 : memref<1x!tpu.dma_semaphore, #tpu.memory_space<semaphore_mem>> -> memref<!tpu.dma_semaphore, #tpu.memory_space<semaphore_mem>>
        tpu.enqueue_indirect_dma source(%dma_start3A_730 : memref<42240x64xf32, #tpu.memory_space<hbm>>) target(%dma_start3A_724 : memref<128x64xf32, #tpu.memory_space<vmem>>) offsets(%dma_start3A_727 : memref<128xi32, #tpu.memory_space<vmem>>) semaphore(%dma_start3A_732 : memref<!tpu.dma_semaphore, #tpu.memory_space<semaphore_mem>>)
        %dma_start3A_733 = arith.constant 0 : i32
        %dma_start3A_734 = arith.constant 2 : i32
        %dma_start3A_735 = arith.constant 0 : i32
        %dma_start3A_736 = arith.constant 0 : i32
        %dma_start3A_737 = arith.constant 256 : i32
        %dma_start3A_738 = arith.constant 0 : i32
        %dma_start3A_739 = tpu.memref_slice %arg8[%dma_start3A_735, %dma_start3A_737, %dma_start3A_738] : memref<2x512x64xf32, #tpu.memory_space<vmem>> -> memref<1x128x64xf32, #tpu.memory_space<vmem>>
        %dma_start3A_740 = tpu.memref_squeeze %dma_start3A_739 : memref<1x128x64xf32, #tpu.memory_space<vmem>> -> memref<128x64xf32, #tpu.memory_space<vmem>>
        %dma_start3A_741 = arith.constant 0 : i32
        %dma_start3A_742 = tpu.memref_slice %arg7[%sub3A_178, %dma_start3A_733, %dma_start3A_734, %dma_start3A_741] : memref<2x3x8x128xi32, #tpu.memory_space<vmem>> -> memref<1x1x1x128xi32, #tpu.memory_space<vmem>>
        %dma_start3A_743 = tpu.memref_squeeze %dma_start3A_742 : memref<1x1x1x128xi32, #tpu.memory_space<vmem>> -> memref<128xi32, #tpu.memory_space<vmem>>
        %dma_start3A_744 = arith.constant 0 : i32
        %dma_start3A_745 = arith.constant 0 : i32
        %dma_start3A_746 = tpu.memref_slice %arg3[%dma_start3A_744, %dma_start3A_745] : memref<42240x64xf32, #tpu.memory_space<hbm>> -> memref<42240x64xf32, #tpu.memory_space<hbm>>
        %dma_start3A_747 = tpu.memref_slice %arg10[%dma_start3A_736] : memref<2x!tpu.dma_semaphore, #tpu.memory_space<semaphore_mem>> -> memref<1x!tpu.dma_semaphore, #tpu.memory_space<semaphore_mem>>
        %dma_start3A_748 = tpu.memref_squeeze %dma_start3A_747 : memref<1x!tpu.dma_semaphore, #tpu.memory_space<semaphore_mem>> -> memref<!tpu.dma_semaphore, #tpu.memory_space<semaphore_mem>>
        tpu.enqueue_indirect_dma source(%dma_start3A_746 : memref<42240x64xf32, #tpu.memory_space<hbm>>) target(%dma_start3A_740 : memref<128x64xf32, #tpu.memory_space<vmem>>) offsets(%dma_start3A_743 : memref<128xi32, #tpu.memory_space<vmem>>) semaphore(%dma_start3A_748 : memref<!tpu.dma_semaphore, #tpu.memory_space<semaphore_mem>>)
        %dma_start3A_749 = arith.constant 0 : i32
        %dma_start3A_750 = arith.constant 3 : i32
        %dma_start3A_751 = arith.constant 0 : i32
        %dma_start3A_752 = arith.constant 0 : i32
        %dma_start3A_753 = arith.constant 384 : i32
        %dma_start3A_754 = arith.constant 0 : i32
        %dma_start3A_755 = tpu.memref_slice %arg8[%dma_start3A_751, %dma_start3A_753, %dma_start3A_754] : memref<2x512x64xf32, #tpu.memory_space<vmem>> -> memref<1x128x64xf32, #tpu.memory_space<vmem>>
        %dma_start3A_756 = tpu.memref_squeeze %dma_start3A_755 : memref<1x128x64xf32, #tpu.memory_space<vmem>> -> memref<128x64xf32, #tpu.memory_space<vmem>>
        %dma_start3A_757 = arith.constant 0 : i32
        %dma_start3A_758 = tpu.memref_slice %arg7[%sub3A_178, %dma_start3A_749, %dma_start3A_750, %dma_start3A_757] : memref<2x3x8x128xi32, #tpu.memory_space<vmem>> -> memref<1x1x1x128xi32, #tpu.memory_space<vmem>>
        %dma_start3A_759 = tpu.memref_squeeze %dma_start3A_758 : memref<1x1x1x128xi32, #tpu.memory_space<vmem>> -> memref<128xi32, #tpu.memory_space<vmem>>
        %dma_start3A_760 = arith.constant 0 : i32
        %dma_start3A_761 = arith.constant 0 : i32
        %dma_start3A_762 = tpu.memref_slice %arg3[%dma_start3A_760, %dma_start3A_761] : memref<42240x64xf32, #tpu.memory_space<hbm>> -> memref<42240x64xf32, #tpu.memory_space<hbm>>
        %dma_start3A_763 = tpu.memref_slice %arg10[%dma_start3A_752] : memref<2x!tpu.dma_semaphore, #tpu.memory_space<semaphore_mem>> -> memref<1x!tpu.dma_semaphore, #tpu.memory_space<semaphore_mem>>
        %dma_start3A_764 = tpu.memref_squeeze %dma_start3A_763 : memref<1x!tpu.dma_semaphore, #tpu.memory_space<semaphore_mem>> -> memref<!tpu.dma_semaphore, #tpu.memory_space<semaphore_mem>>
        tpu.enqueue_indirect_dma source(%dma_start3A_762 : memref<42240x64xf32, #tpu.memory_space<hbm>>) target(%dma_start3A_756 : memref<128x64xf32, #tpu.memory_space<vmem>>) offsets(%dma_start3A_759 : memref<128xi32, #tpu.memory_space<vmem>>) semaphore(%dma_start3A_764 : memref<!tpu.dma_semaphore, #tpu.memory_space<semaphore_mem>>)
      } else {
      }
      %dma_wait3A_600 = arith.constant 1 : i32
      %dma_wait3A_601 = arith.constant 1 : i32
      %dma_wait3A_602 = arith.constant 0 : i32
      %dma_wait3A_603 = arith.constant 0 : i32
      %dma_wait3A_604 = tpu.memref_slice %arg8[%dma_wait3A_600, %dma_wait3A_602, %dma_wait3A_603] : memref<2x512x64xf32, #tpu.memory_space<vmem>> -> memref<1x512x64xf32, #tpu.memory_space<vmem>>
      %dma_wait3A_605 = tpu.memref_squeeze %dma_wait3A_604 : memref<1x512x64xf32, #tpu.memory_space<vmem>> -> memref<512x64xf32, #tpu.memory_space<vmem>>
      %dma_wait3A_606 = arith.constant 0 : i32
      %dma_wait3A_607 = arith.constant 0 : i32
      %dma_wait3A_608 = tpu.memref_slice %arg6[%dma_wait3A_606, %dma_wait3A_607] : memref<819200x64xf32, #tpu.memory_space<hbm>> -> memref<512x64xf32, #tpu.memory_space<hbm>>
      %dma_wait3A_609 = tpu.memref_slice %arg11[%dma_wait3A_601] : memref<2x!tpu.dma_semaphore, #tpu.memory_space<semaphore_mem>> -> memref<1x!tpu.dma_semaphore, #tpu.memory_space<semaphore_mem>>
      %dma_wait3A_610 = tpu.memref_squeeze %dma_wait3A_609 : memref<1x!tpu.dma_semaphore, #tpu.memory_space<semaphore_mem>> -> memref<!tpu.dma_semaphore, #tpu.memory_space<semaphore_mem>>
      %dma_wait3A_611 = arith.constant 0 : i32
      %dma_wait3A_612 = arith.constant 0 : i32
      %dma_wait3A_613 = tpu.memref_slice %arg8[%dma_wait3A_600, %dma_wait3A_611, %dma_wait3A_612] : memref<2x512x64xf32, #tpu.memory_space<vmem>> -> memref<1x512x64xf32, #tpu.memory_space<vmem>>
      %dma_wait3A_614 = tpu.memref_squeeze %dma_wait3A_613 : memref<1x512x64xf32, #tpu.memory_space<vmem>> -> memref<512x64xf32, #tpu.memory_space<vmem>>
      %dma_wait3A_615 = arith.constant 0 : i32
      %dma_wait3A_616 = arith.constant 0 : i32
      %dma_wait3A_617 = tpu.memref_slice %arg6[%dma_wait3A_615, %dma_wait3A_616] : memref<819200x64xf32, #tpu.memory_space<hbm>> -> memref<512x64xf32, #tpu.memory_space<hbm>>
      tpu.wait_dma2 semaphore(%dma_wait3A_610 : memref<!tpu.dma_semaphore, #tpu.memory_space<semaphore_mem>>) src(%dma_wait3A_617 : memref<512x64xf32, #tpu.memory_space<hbm>>) dst(%dma_wait3A_614 : memref<512x64xf32, #tpu.memory_space<vmem>>)
      %dma_wait3A_618 = arith.constant 1 : i32
      %dma_wait3A_619 = arith.constant 1 : i32
      %dma_wait3A_620 = arith.constant 0 : i32
      %dma_wait3A_621 = arith.constant 0 : i32
      %dma_wait3A_622 = tpu.memref_slice %arg8[%dma_wait3A_618, %dma_wait3A_620, %dma_wait3A_621] : memref<2x512x64xf32, #tpu.memory_space<vmem>> -> memref<1x512x64xf32, #tpu.memory_space<vmem>>
      %dma_wait3A_623 = tpu.memref_squeeze %dma_wait3A_622 : memref<1x512x64xf32, #tpu.memory_space<vmem>> -> memref<512x64xf32, #tpu.memory_space<vmem>>
      %dma_wait3A_624 = arith.constant 0 : i32
      %dma_wait3A_625 = arith.constant 0 : i32
      %dma_wait3A_626 = tpu.memref_slice %arg6[%dma_wait3A_624, %dma_wait3A_625] : memref<819200x64xf32, #tpu.memory_space<hbm>> -> memref<512x64xf32, #tpu.memory_space<hbm>>
      %dma_wait3A_627 = tpu.memref_slice %arg11[%dma_wait3A_619] : memref<2x!tpu.dma_semaphore, #tpu.memory_space<semaphore_mem>> -> memref<1x!tpu.dma_semaphore, #tpu.memory_space<semaphore_mem>>
      %dma_wait3A_628 = tpu.memref_squeeze %dma_wait3A_627 : memref<1x!tpu.dma_semaphore, #tpu.memory_space<semaphore_mem>> -> memref<!tpu.dma_semaphore, #tpu.memory_space<semaphore_mem>>
      %dma_wait3A_629 = arith.constant 0 : i32
      %dma_wait3A_630 = arith.constant 0 : i32
      %dma_wait3A_631 = tpu.memref_slice %arg8[%dma_wait3A_618, %dma_wait3A_629, %dma_wait3A_630] : memref<2x512x64xf32, #tpu.memory_space<vmem>> -> memref<1x512x64xf32, #tpu.memory_space<vmem>>
      %dma_wait3A_632 = tpu.memref_squeeze %dma_wait3A_631 : memref<1x512x64xf32, #tpu.memory_space<vmem>> -> memref<512x64xf32, #tpu.memory_space<vmem>>
      %dma_wait3A_633 = arith.constant 0 : i32
      %dma_wait3A_634 = arith.constant 0 : i32
      %dma_wait3A_635 = tpu.memref_slice %arg6[%dma_wait3A_633, %dma_wait3A_634] : memref<819200x64xf32, #tpu.memory_space<hbm>> -> memref<512x64xf32, #tpu.memory_space<hbm>>
      tpu.wait_dma2 semaphore(%dma_wait3A_628 : memref<!tpu.dma_semaphore, #tpu.memory_space<semaphore_mem>>) src(%dma_wait3A_635 : memref<512x64xf32, #tpu.memory_space<hbm>>) dst(%dma_wait3A_632 : memref<512x64xf32, #tpu.memory_space<vmem>>)
      %mul3A_636 = arith.constant 25600 : i32
      %mul3A_637 = arith.muli %add3A, %mul3A_636 : i32
      %mul3A_638 = arith.constant 512 : i32
      %mul3A_639 = arith.muli %add3A_176, %mul3A_638 : i32
      %add3A_640 = arith.addi %mul3A_637, %mul3A_639 : i32
      %dma_start3A_641 = arith.constant 1 : i32
      %dma_start3A_642 = arith.constant 1 : i32
      %dma_start3A_643 = arith.constant 0 : i32
      %dma_start3A_644 = arith.constant 0 : i32
      %dma_start3A_645 = tpu.memref_slice %arg8[%dma_start3A_641, %dma_start3A_643, %dma_start3A_644] : memref<2x512x64xf32, #tpu.memory_space<vmem>> -> memref<1x512x64xf32, #tpu.memory_space<vmem>>
      %dma_start3A_646 = tpu.memref_squeeze %dma_start3A_645 : memref<1x512x64xf32, #tpu.memory_space<vmem>> -> memref<512x64xf32, #tpu.memory_space<vmem>>
      %dma_start3A_647 = arith.constant 0 : i32
      %dma_start3A_648 = tpu.memref_slice %arg6[%add3A_640, %dma_start3A_647] : memref<819200x64xf32, #tpu.memory_space<hbm>> -> memref<512x64xf32, #tpu.memory_space<hbm>>
      %dma_start3A_649 = tpu.memref_slice %arg12[%dma_start3A_642] : memref<2x!tpu.dma_semaphore, #tpu.memory_space<semaphore_mem>> -> memref<1x!tpu.dma_semaphore, #tpu.memory_space<semaphore_mem>>
      %dma_start3A_650 = tpu.memref_squeeze %dma_start3A_649 : memref<1x!tpu.dma_semaphore, #tpu.memory_space<semaphore_mem>> -> memref<!tpu.dma_semaphore, #tpu.memory_space<semaphore_mem>>
      %dma_start3A_651 = arith.constant 0 : i32
      %dma_start3A_652 = tpu.memref_slice %arg6[%add3A_640, %dma_start3A_651] : memref<819200x64xf32, #tpu.memory_space<hbm>> -> memref<512x64xf32, #tpu.memory_space<hbm>>
      %dma_start3A_653 = arith.constant 0 : i32
      %dma_start3A_654 = arith.constant 0 : i32
      %dma_start3A_655 = tpu.memref_slice %arg8[%dma_start3A_641, %dma_start3A_653, %dma_start3A_654] : memref<2x512x64xf32, #tpu.memory_space<vmem>> -> memref<1x512x64xf32, #tpu.memory_space<vmem>>
      %dma_start3A_656 = tpu.memref_squeeze %dma_start3A_655 : memref<1x512x64xf32, #tpu.memory_space<vmem>> -> memref<512x64xf32, #tpu.memory_space<vmem>>
      tpu.enqueue_dma source(%dma_start3A_656 : memref<512x64xf32, #tpu.memory_space<vmem>>) target(%dma_start3A_652 : memref<512x64xf32, #tpu.memory_space<hbm>>) target_semaphore(%dma_start3A_650 : memref<!tpu.dma_semaphore, #tpu.memory_space<semaphore_mem>>)
      %add3A_657 = arith.constant 2 : i32
      %add3A_658 = arith.addi %scan3A_170, %add3A_657 : i32
      %lt3A_659 = arith.constant 25 : i32
      %lt3A_660 = arith.cmpi slt, %add3A_658, %lt3A_659 : i32
      %convert_element_type3A_661 = arith.extui %lt3A_660 : i1 to i32
      %cond3A_662 = arith.constant 0 : i32
      %cond3A_663 = arith.cmpi ne, %convert_element_type3A_661, %cond3A_662 : i32
      scf.if %cond3A_663 {
        %add3A_664 = arith.constant 2 : i32
        %add3A_665 = arith.addi %scan3A_170, %add3A_664 : i32
        %mul3A_666 = arith.constant 200 : i32
        %mul3A_667 = arith.muli %add3A, %mul3A_666 : i32
        %mul3A_668 = arith.constant 2 : i32
        %mul3A_669 = arith.muli %add3A_665, %mul3A_668 : i32
        %mul3A_670 = arith.constant 4 : i32
        %mul3A_671 = arith.muli %mul3A_669, %mul3A_670 : i32
        %add3A_672 = arith.addi %mul3A_667, %mul3A_671 : i32
        %multiple_of3A_673 = tpu.assume_multiple %add3A_672, 8 : i32
        %dma_start3A_674 = arith.constant 0 : i32
        %dma_start3A_675 = arith.constant 0 : i32
        %dma_start3A_676 = arith.constant 0 : i32
        %dma_start3A_677 = tpu.memref_slice %arg7[%and3A_177, %dma_start3A_674, %dma_start3A_675, %dma_start3A_676] : memref<2x3x8x128xi32, #tpu.memory_space<vmem>> -> memref<1x3x8x128xi32, #tpu.memory_space<vmem>>
        %dma_start3A_678 = tpu.memref_squeeze %dma_start3A_677 : memref<1x3x8x128xi32, #tpu.memory_space<vmem>> -> memref<3x8x128xi32, #tpu.memory_space<vmem>>
        %dma_start3A_679 = arith.constant 0 : i32
        %dma_start3A_680 = arith.constant 0 : i32
        %dma_start3A_681 = tpu.memref_slice %arg2[%dma_start3A_679, %multiple_of3A_673, %dma_start3A_680] : memref<3x6400x128xi32, #tpu.memory_space<hbm>> -> memref<3x8x128xi32, #tpu.memory_space<hbm>>
        %dma_start3A_682 = arith.constant 0 : i32
        %dma_start3A_683 = arith.constant 0 : i32
        %dma_start3A_684 = arith.constant 0 : i32
        %dma_start3A_685 = tpu.memref_slice %arg7[%and3A_177, %dma_start3A_682, %dma_start3A_683, %dma_start3A_684] : memref<2x3x8x128xi32, #tpu.memory_space<vmem>> -> memref<1x3x8x128xi32, #tpu.memory_space<vmem>>
        %dma_start3A_686 = tpu.memref_squeeze %dma_start3A_685 : memref<1x3x8x128xi32, #tpu.memory_space<vmem>> -> memref<3x8x128xi32, #tpu.memory_space<vmem>>
        %dma_start3A_687 = arith.constant 0 : i32
        %dma_start3A_688 = arith.constant 0 : i32
        %dma_start3A_689 = tpu.memref_slice %arg2[%dma_start3A_687, %multiple_of3A_673, %dma_start3A_688] : memref<3x6400x128xi32, #tpu.memory_space<hbm>> -> memref<3x8x128xi32, #tpu.memory_space<hbm>>
        tpu.enqueue_dma source(%dma_start3A_689 : memref<3x8x128xi32, #tpu.memory_space<hbm>>) target(%dma_start3A_686 : memref<3x8x128xi32, #tpu.memory_space<vmem>>) target_semaphore(%arg9 : memref<!tpu.dma_semaphore, #tpu.memory_space<semaphore_mem>>)
      } else {
      }
    }
    %scan3A_133 = arith.constant 25 : i32
    %dma_wait3A_134 = arith.constant 0 : i32
    %dma_wait3A_135 = arith.constant 0 : i32
    %dma_wait3A_136 = arith.constant 0 : i32
    %dma_wait3A_137 = arith.constant 0 : i32
    %dma_wait3A_138 = tpu.memref_slice %arg8[%dma_wait3A_134, %dma_wait3A_136, %dma_wait3A_137] : memref<2x512x64xf32, #tpu.memory_space<vmem>> -> memref<1x512x64xf32, #tpu.memory_space<vmem>>
    %dma_wait3A_139 = tpu.memref_squeeze %dma_wait3A_138 : memref<1x512x64xf32, #tpu.memory_space<vmem>> -> memref<512x64xf32, #tpu.memory_space<vmem>>
    %dma_wait3A_140 = arith.constant 0 : i32
    %dma_wait3A_141 = arith.constant 0 : i32
    %dma_wait3A_142 = tpu.memref_slice %arg6[%dma_wait3A_140, %dma_wait3A_141] : memref<819200x64xf32, #tpu.memory_space<hbm>> -> memref<512x64xf32, #tpu.memory_space<hbm>>
    %dma_wait3A_143 = tpu.memref_slice %arg12[%dma_wait3A_135] : memref<2x!tpu.dma_semaphore, #tpu.memory_space<semaphore_mem>> -> memref<1x!tpu.dma_semaphore, #tpu.memory_space<semaphore_mem>>
    %dma_wait3A_144 = tpu.memref_squeeze %dma_wait3A_143 : memref<1x!tpu.dma_semaphore, #tpu.memory_space<semaphore_mem>> -> memref<!tpu.dma_semaphore, #tpu.memory_space<semaphore_mem>>
    %dma_wait3A_145 = arith.constant 0 : i32
    %dma_wait3A_146 = arith.constant 0 : i32
    %dma_wait3A_147 = tpu.memref_slice %arg6[%dma_wait3A_145, %dma_wait3A_146] : memref<819200x64xf32, #tpu.memory_space<hbm>> -> memref<512x64xf32, #tpu.memory_space<hbm>>
    %dma_wait3A_148 = arith.constant 0 : i32
    %dma_wait3A_149 = arith.constant 0 : i32
    %dma_wait3A_150 = tpu.memref_slice %arg8[%dma_wait3A_134, %dma_wait3A_148, %dma_wait3A_149] : memref<2x512x64xf32, #tpu.memory_space<vmem>> -> memref<1x512x64xf32, #tpu.memory_space<vmem>>
    %dma_wait3A_151 = tpu.memref_squeeze %dma_wait3A_150 : memref<1x512x64xf32, #tpu.memory_space<vmem>> -> memref<512x64xf32, #tpu.memory_space<vmem>>
    tpu.wait_dma2 semaphore(%dma_wait3A_144 : memref<!tpu.dma_semaphore, #tpu.memory_space<semaphore_mem>>) src(%dma_wait3A_151 : memref<512x64xf32, #tpu.memory_space<vmem>>) dst(%dma_wait3A_147 : memref<512x64xf32, #tpu.memory_space<hbm>>)
    %dma_wait3A_152 = arith.constant 1 : i32
    %dma_wait3A_153 = arith.constant 1 : i32
    %dma_wait3A_154 = arith.constant 0 : i32
    %dma_wait3A_155 = arith.constant 0 : i32
    %dma_wait3A_156 = tpu.memref_slice %arg8[%dma_wait3A_152, %dma_wait3A_154, %dma_wait3A_155] : memref<2x512x64xf32, #tpu.memory_space<vmem>> -> memref<1x512x64xf32, #tpu.memory_space<vmem>>
    %dma_wait3A_157 = tpu.memref_squeeze %dma_wait3A_156 : memref<1x512x64xf32, #tpu.memory_space<vmem>> -> memref<512x64xf32, #tpu.memory_space<vmem>>
    %dma_wait3A_158 = arith.constant 0 : i32
    %dma_wait3A_159 = arith.constant 0 : i32
    %dma_wait3A_160 = tpu.memref_slice %arg6[%dma_wait3A_158, %dma_wait3A_159] : memref<819200x64xf32, #tpu.memory_space<hbm>> -> memref<512x64xf32, #tpu.memory_space<hbm>>
    %dma_wait3A_161 = tpu.memref_slice %arg12[%dma_wait3A_153] : memref<2x!tpu.dma_semaphore, #tpu.memory_space<semaphore_mem>> -> memref<1x!tpu.dma_semaphore, #tpu.memory_space<semaphore_mem>>
    %dma_wait3A_162 = tpu.memref_squeeze %dma_wait3A_161 : memref<1x!tpu.dma_semaphore, #tpu.memory_space<semaphore_mem>> -> memref<!tpu.dma_semaphore, #tpu.memory_space<semaphore_mem>>
    %dma_wait3A_163 = arith.constant 0 : i32
    %dma_wait3A_164 = arith.constant 0 : i32
    %dma_wait3A_165 = tpu.memref_slice %arg6[%dma_wait3A_163, %dma_wait3A_164] : memref<819200x64xf32, #tpu.memory_space<hbm>> -> memref<512x64xf32, #tpu.memory_space<hbm>>
    %dma_wait3A_166 = arith.constant 0 : i32
    %dma_wait3A_167 = arith.constant 0 : i32
    %dma_wait3A_168 = tpu.memref_slice %arg8[%dma_wait3A_152, %dma_wait3A_166, %dma_wait3A_167] : memref<2x512x64xf32, #tpu.memory_space<vmem>> -> memref<1x512x64xf32, #tpu.memory_space<vmem>>
    %dma_wait3A_169 = tpu.memref_squeeze %dma_wait3A_168 : memref<1x512x64xf32, #tpu.memory_space<vmem>> -> memref<512x64xf32, #tpu.memory_space<vmem>>
    tpu.wait_dma2 semaphore(%dma_wait3A_162 : memref<!tpu.dma_semaphore, #tpu.memory_space<semaphore_mem>>) src(%dma_wait3A_169 : memref<512x64xf32, #tpu.memory_space<vmem>>) dst(%dma_wait3A_165 : memref<512x64xf32, #tpu.memory_space<hbm>>)
    return
  }
}

module attributes {stable_mosaic.version = 14 : i64} {
  func.func @body(%arg0: i32, %arg1: memref<128x200xi32, #tpu.memory_space<vmem>>, %arg2: memref<128x200xi32, #tpu.memory_space<vmem>>, %arg3: memref<128x200xi32, #tpu.memory_space<vmem>>, %arg4: memref<128x200xi32, #tpu.memory_space<vmem>>, %arg5: memref<128x200xi32, #tpu.memory_space<vmem>>, %arg6: memref<128x200xi32, #tpu.memory_space<vmem>>, %arg7: memref<3x128x200xi32, #tpu.memory_space<vmem>>) attributes {dimension_semantics = [#tpu.dimension_semantics<arbitrary>], iteration_bounds = array<i64: 32>, scalar_prefetch = 0 : i64, scratch_operands = 0 : i64, tpu.core_type = #tpu.core_type<tc>, window_params = [{transform_indices = @transform_0, window_bounds = array<i64: 128, 200>}, {transform_indices = @transform_1, window_bounds = array<i64: 128, 200>}, {transform_indices = @transform_2, window_bounds = array<i64: 128, 200>}, {transform_indices = @transform_3, window_bounds = array<i64: 128, 200>}, {transform_indices = @transform_4, window_bounds = array<i64: 128, 200>}, {transform_indices = @transform_5, window_bounds = array<i64: 128, 200>}, {transform_indices = @transform_6, window_bounds = array<i64: 3, 128, 200>}]} {
    %get3A = arith.constant 0 : index
    %get3A_0 = arith.constant 0 : index
    %get3A_1 = vector.load %arg1[%get3A, %get3A_0] : memref<128x200xi32, #tpu.memory_space<vmem>>, vector<128x200xi32>
    %mul3A = arith.constant 13 : i32
    %mul3A_2 = vector.broadcast %mul3A : i32 to vector<128x200xi32>
    %mul3A_3 = arith.muli %get3A_1, %mul3A_2 : vector<128x200xi32>
    %get3A_4 = arith.constant 0 : index
    %get3A_5 = arith.constant 0 : index
    %get3A_6 = vector.load %arg6[%get3A_4, %get3A_5] : memref<128x200xi32, #tpu.memory_space<vmem>>, vector<128x200xi32>
    %add3A = arith.addi %mul3A_3, %get3A_6 : vector<128x200xi32>
    %mul3A_7 = arith.constant 1320 : i32
    %mul3A_8 = arith.muli %arg0, %mul3A_7 : i32
    %add3A_9 = vector.broadcast %mul3A_8 : i32 to vector<128x200xi32>
    %add3A_10 = arith.addi %add3A, %add3A_9 : vector<128x200xi32>
    %swap3A = arith.constant 0 : index
    %swap3A_11 = arith.constant 0 : index
    %swap3A_12 = arith.constant 0 : index
    %swap3A_13 = vector.load %arg7[%swap3A, %swap3A_11, %swap3A_12] : memref<3x128x200xi32, #tpu.memory_space<vmem>>, vector<1x128x200xi32>
    %swap3A_14 = vector.shape_cast %swap3A_13 : vector<1x128x200xi32> to vector<128x200xi32>
    %swap3A_15 = vector.shape_cast %add3A_10 : vector<128x200xi32> to vector<1x128x200xi32>
    tpu.vector_store %arg7[%swap3A, %swap3A_11, %swap3A_12], %swap3A_15 {strides = array<i32>} : memref<3x128x200xi32, #tpu.memory_space<vmem>>, vector<1x128x200xi32>,
    %get3A_16 = arith.constant 0 : index
    %get3A_17 = arith.constant 0 : index
    %get3A_18 = vector.load %arg5[%get3A_16, %get3A_17] : memref<128x200xi32, #tpu.memory_space<vmem>>, vector<128x200xi32>
    %mul3A_19 = arith.constant 24 : i32
    %mul3A_20 = vector.broadcast %mul3A_19 : i32 to vector<128x200xi32>
    %mul3A_21 = arith.muli %get3A_18, %mul3A_20 : vector<128x200xi32>
    %get3A_22 = arith.constant 0 : index
    %get3A_23 = arith.constant 0 : index
    %get3A_24 = vector.load %arg4[%get3A_22, %get3A_23] : memref<128x200xi32, #tpu.memory_space<vmem>>, vector<128x200xi32>
    %add3A_25 = arith.addi %mul3A_21, %get3A_24 : vector<128x200xi32>
    %mul3A_26 = arith.constant 2280 : i32
    %mul3A_27 = arith.muli %arg0, %mul3A_26 : i32
    %add3A_28 = vector.broadcast %mul3A_27 : i32 to vector<128x200xi32>
    %add3A_29 = arith.addi %add3A_25, %add3A_28 : vector<128x200xi32>
    %swap3A_30 = arith.constant 1 : index
    %swap3A_31 = arith.constant 0 : index
    %swap3A_32 = arith.constant 0 : index
    %swap3A_33 = vector.load %arg7[%swap3A_30, %swap3A_31, %swap3A_32] : memref<3x128x200xi32, #tpu.memory_space<vmem>>, vector<1x128x200xi32>
    %swap3A_34 = vector.shape_cast %swap3A_33 : vector<1x128x200xi32> to vector<128x200xi32>
    %swap3A_35 = vector.shape_cast %add3A_29 : vector<128x200xi32> to vector<1x128x200xi32>
    tpu.vector_store %arg7[%swap3A_30, %swap3A_31, %swap3A_32], %swap3A_35 {strides = array<i32>} : memref<3x128x200xi32, #tpu.memory_space<vmem>>, vector<1x128x200xi32>,
    %get3A_36 = arith.constant 0 : index
    %get3A_37 = arith.constant 0 : index
    %get3A_38 = vector.load %arg2[%get3A_36, %get3A_37] : memref<128x200xi32, #tpu.memory_space<vmem>>, vector<128x200xi32>
    %mul3A_39 = arith.constant 37 : i32
    %mul3A_40 = vector.broadcast %mul3A_39 : i32 to vector<128x200xi32>
    %mul3A_41 = arith.muli %get3A_38, %mul3A_40 : vector<128x200xi32>
    %get3A_42 = arith.constant 0 : index
    %get3A_43 = arith.constant 0 : index
    %get3A_44 = vector.load %arg3[%get3A_42, %get3A_43] : memref<128x200xi32, #tpu.memory_space<vmem>>, vector<128x200xi32>
    %add3A_45 = arith.addi %mul3A_41, %get3A_44 : vector<128x200xi32>
    %mul3A_46 = arith.constant 2040 : i32
    %mul3A_47 = arith.muli %arg0, %mul3A_46 : i32
    %add3A_48 = vector.broadcast %mul3A_47 : i32 to vector<128x200xi32>
    %add3A_49 = arith.addi %add3A_45, %add3A_48 : vector<128x200xi32>
    %swap3A_50 = arith.constant 2 : index
    %swap3A_51 = arith.constant 0 : index
    %swap3A_52 = arith.constant 0 : index
    %swap3A_53 = vector.load %arg7[%swap3A_50, %swap3A_51, %swap3A_52] : memref<3x128x200xi32, #tpu.memory_space<vmem>>, vector<1x128x200xi32>
    %swap3A_54 = vector.shape_cast %swap3A_53 : vector<1x128x200xi32> to vector<128x200xi32>
    %swap3A_55 = vector.shape_cast %add3A_49 : vector<128x200xi32> to vector<1x128x200xi32>
    tpu.vector_store %arg7[%swap3A_50, %swap3A_51, %swap3A_52], %swap3A_55 {strides = array<i32>} : memref<3x128x200xi32, #tpu.memory_space<vmem>>, vector<1x128x200xi32>,
    return
  }
  func.func @transform_0(%arg0: i32) -> (i32, i32) {
    %c0_i32 = arith.constant 0 : i32
    %c0_i32_0 = arith.constant 0 : i32
    return %arg0, %c0_i32 : i32, i32
  }
  func.func @transform_1(%arg0: i32) -> (i32, i32) {
    %c0_i32 = arith.constant 0 : i32
    %c0_i32_0 = arith.constant 0 : i32
    return %arg0, %c0_i32 : i32, i32
  }
  func.func @transform_2(%arg0: i32) -> (i32, i32) {
    %c0_i32 = arith.constant 0 : i32
    %c0_i32_0 = arith.constant 0 : i32
    return %arg0, %c0_i32 : i32, i32
  }
  func.func @transform_3(%arg0: i32) -> (i32, i32) {
    %c0_i32 = arith.constant 0 : i32
    %c0_i32_0 = arith.constant 0 : i32
    return %arg0, %c0_i32 : i32, i32
  }
  func.func @transform_4(%arg0: i32) -> (i32, i32) {
    %c0_i32 = arith.constant 0 : i32
    %c0_i32_0 = arith.constant 0 : i32
    return %arg0, %c0_i32 : i32, i32
  }
  func.func @transform_5(%arg0: i32) -> (i32, i32) {
    %c0_i32 = arith.constant 0 : i32
    %c0_i32_0 = arith.constant 0 : i32
    return %arg0, %c0_i32 : i32, i32
  }
  func.func @transform_6(%arg0: i32) -> (i32, i32, i32) {
    %c0_i32 = arith.constant 0 : i32
    %c0_i32_0 = arith.constant 0 : i32
    %c0_i32_1 = arith.constant 0 : i32
    return %c0_i32, %arg0, %c0_i32_0 : i32, i32, i32
  }
}

module attributes {stable_mosaic.version = 14 : i64} {
  func.func @body(%arg0: i32, %arg1: memref<101x64xf32, #tpu.memory_space<vmem>>, %arg2: memref<13x64xf32, #tpu.memory_space<vmem>>, %arg3: memref<95x64xf32, #tpu.memory_space<vmem>>, %arg4: memref<24x64xf32, #tpu.memory_space<vmem>>, %arg5: memref<55x64xf32, #tpu.memory_space<vmem>>, %arg6: memref<37x64xf32, #tpu.memory_space<vmem>>, %arg7: memref<1320x64xf32, #tpu.memory_space<vmem>>, %arg8: memref<2280x64xf32, #tpu.memory_space<vmem>>, %arg9: memref<2040x64xf32, #tpu.memory_space<vmem>>) attributes {dimension_semantics = [#tpu.dimension_semantics<arbitrary>], iteration_bounds = array<i64: 32>, scalar_prefetch = 0 : i64, scratch_operands = 0 : i64, tpu.core_type = #tpu.core_type<tc>, window_params = [{pipeline_mode = #tpu.pipeline_mode<synchronous>, transform_indices = @transform_0, window_bounds = array<i64: 101, 64>}, {pipeline_mode = #tpu.pipeline_mode<synchronous>, transform_indices = @transform_1, window_bounds = array<i64: 13, 64>}, {pipeline_mode = #tpu.pipeline_mode<synchronous>, transform_indices = @transform_2, window_bounds = array<i64: 95, 64>}, {pipeline_mode = #tpu.pipeline_mode<synchronous>, transform_indices = @transform_3, window_bounds = array<i64: 24, 64>}, {pipeline_mode = #tpu.pipeline_mode<synchronous>, transform_indices = @transform_4, window_bounds = array<i64: 55, 64>}, {pipeline_mode = #tpu.pipeline_mode<synchronous>, transform_indices = @transform_5, window_bounds = array<i64: 37, 64>}, {transform_indices = @transform_6, window_bounds = array<i64: 1320, 64>}, {transform_indices = @transform_7, window_bounds = array<i64: 2280, 64>}, {transform_indices = @transform_8, window_bounds = array<i64: 2040, 64>}]} {
    %iota3A = tpu.iota {dimensions = array<i32: 0>} : vector<1320x1xi32>
    %jit3A = arith.constant 13 : i32
    %div3A = vector.broadcast %jit3A : i32 to vector<1320x1xi32>
    %div3A_0 = arith.divsi %iota3A, %div3A : vector<1320x1xi32>
    %sign3A = arith.constant 0 : i32
    %sign3A_1 = vector.broadcast %sign3A : i32 to vector<1320x1xi32>
    %sign3A_2 = arith.cmpi sgt, %iota3A, %sign3A_1 : vector<1320x1xi32>
    %sign3A_3 = arith.extui %sign3A_2 : vector<1320x1xi1> to vector<1320x1xi32>
    %sign3A_4 = arith.constant 0 : i32
    %sign3A_5 = vector.broadcast %sign3A_4 : i32 to vector<1320x1xi32>
    %sign3A_6 = arith.cmpi slt, %iota3A, %sign3A_5 : vector<1320x1xi32>
    %sign3A_7 = arith.extui %sign3A_6 : vector<1320x1xi1> to vector<1320x1xi32>
    %sign3A_8 = arith.subi %sign3A_3, %sign3A_7 : vector<1320x1xi32>
    %sign3A_9 = arith.constant 0 : i32
    %sign3A_10 = arith.cmpi sgt, %jit3A, %sign3A_9 : i32
    %sign3A_11 = arith.extui %sign3A_10 : i1 to i32
    %sign3A_12 = arith.constant 0 : i32
    %sign3A_13 = arith.cmpi slt, %jit3A, %sign3A_12 : i32
    %sign3A_14 = arith.extui %sign3A_13 : i1 to i32
    %sign3A_15 = arith.subi %sign3A_11, %sign3A_14 : i32
    %ne3A = vector.broadcast %sign3A_15 : i32 to vector<1320x1xi32>
    %ne3A_16 = arith.cmpi ne, %sign3A_8, %ne3A : vector<1320x1xi32>
    %rem3A = vector.broadcast %jit3A : i32 to vector<1320x1xi32>
    %rem3A_17 = arith.remsi %iota3A, %rem3A : vector<1320x1xi32>
    %ne3A_18 = arith.constant 0 : i32
    %ne3A_19 = vector.broadcast %ne3A_18 : i32 to vector<1320x1xi32>
    %ne3A_20 = arith.cmpi ne, %rem3A_17, %ne3A_19 : vector<1320x1xi32>
    %and3A = arith.andi %ne3A_16, %ne3A_20 : vector<1320x1xi1>
    %sub3A = arith.constant 1 : i32
    %sub3A_21 = vector.broadcast %sub3A : i32 to vector<1320x1xi32>
    %sub3A_22 = arith.subi %div3A_0, %sub3A_21 : vector<1320x1xi32>
    %select_n3A = arith.select %and3A, %sub3A_22, %div3A_0 : vector<1320x1xi1>, vector<1320x1xi32>
    %iota3A_23 = tpu.iota {dimensions = array<i32: 1>} : vector<1320x101xi32>
    %eq3A = vector.broadcast %select_n3A : vector<1320x1xi32> to vector<1320x101xi32>
    %eq3A_24 = arith.cmpi eq, %eq3A, %iota3A_23 : vector<1320x101xi32>
    %jit3A_25 = arith.constant 13 : i32
    %eq3A_26 = arith.constant 0 : i32
    %eq3A_27 = arith.cmpi eq, %jit3A_25, %eq3A_26 : i32
    %jit3A_28 = arith.constant 1 : i32
    %select_n3A_29 = arith.select %eq3A_27, %jit3A_28, %jit3A_25 : i32
    %rem3A_30 = vector.broadcast %select_n3A_29 : i32 to vector<1320x1xi32>
    %rem3A_31 = arith.remsi %iota3A, %rem3A_30 : vector<1320x1xi32>
    %ne3A_32 = arith.constant 0 : i32
    %ne3A_33 = vector.broadcast %ne3A_32 : i32 to vector<1320x1xi32>
    %ne3A_34 = arith.cmpi ne, %rem3A_31, %ne3A_33 : vector<1320x1xi32>
    %lt3A = arith.constant 0 : i32
    %lt3A_35 = vector.broadcast %lt3A : i32 to vector<1320x1xi32>
    %lt3A_36 = arith.cmpi slt, %rem3A_31, %lt3A_35 : vector<1320x1xi32>
    %lt3A_37 = arith.constant 0 : i32
    %lt3A_38 = arith.cmpi slt, %select_n3A_29, %lt3A_37 : i32
    %ne3A_39 = vector.broadcast %lt3A_38 : i1 to vector<1320x1xi1>
    %ne3A_40 = vector.broadcast %ne3A_39 : vector<1320x1xi1> to vector<1320x1xi1>
    %ne3A_41 = arith.xori %lt3A_36, %ne3A_40 : vector<1320x1xi1>
    %and3A_42 = arith.andi %ne3A_41, %ne3A_34 : vector<1320x1xi1>
    %add3A = vector.broadcast %select_n3A_29 : i32 to vector<1320x1xi32>
    %add3A_43 = arith.addi %rem3A_31, %add3A : vector<1320x1xi32>
    %select_n3A_44 = arith.select %and3A_42, %add3A_43, %rem3A_31 : vector<1320x1xi1>, vector<1320x1xi32>
    %iota3A_45 = tpu.iota {dimensions = array<i32: 1>} : vector<1320x13xi32>
    %eq3A_46 = vector.broadcast %select_n3A_44 : vector<1320x1xi32> to vector<1320x13xi32>
    %eq3A_47 = arith.cmpi eq, %eq3A_46, %iota3A_45 : vector<1320x13xi32>
    %convert_element_type3A = arith.extui %eq3A_24 : vector<1320x101xi1> to vector<1320x101xi32>
    %convert_element_type3A_48 = arith.sitofp %convert_element_type3A : vector<1320x101xi32> to vector<1320x101xf32>
    %convert_element_type3A_49 = arith.extui %eq3A_47 : vector<1320x13xi1> to vector<1320x13xi32>
    %convert_element_type3A_50 = arith.sitofp %convert_element_type3A_49 : vector<1320x13xi32> to vector<1320x13xf32>
    %get3A = arith.constant 0 : index
    %get3A_51 = arith.constant 0 : index
    %get3A_52 = vector.load %arg1[%get3A, %get3A_51] : memref<101x64xf32, #tpu.memory_space<vmem>>, vector<101x64xf32>
    %dot_general3A = arith.constant dense<0.000000e+00> : vector<1320x64xf32>
    %dot_general3A_53 = tpu.matmul %convert_element_type3A_48, %get3A_52, %dot_general3A {dimension_numbers = #tpu.dot_dimension_numbers<[1], [0], [0], [1], [0, 0, 1, 1], [], []>, precision = #tpu.contract_precision<fp32>, transpose_lhs_hint = false} : vector<1320x101xf32>, vector<101x64xf32>, vector<1320x64xf32> -> vector<1320x64xf32>
    %get3A_54 = arith.constant 0 : index
    %get3A_55 = arith.constant 0 : index
    %get3A_56 = vector.load %arg2[%get3A_54, %get3A_55] : memref<13x64xf32, #tpu.memory_space<vmem>>, vector<13x64xf32>
    %dot_general3A_57 = arith.constant dense<0.000000e+00> : vector<1320x64xf32>
    %dot_general3A_58 = tpu.matmul %convert_element_type3A_50, %get3A_56, %dot_general3A_57 {dimension_numbers = #tpu.dot_dimension_numbers<[1], [0], [0], [1], [0, 0, 1, 1], [], []>, precision = #tpu.contract_precision<fp32>, transpose_lhs_hint = false} : vector<1320x13xf32>, vector<13x64xf32>, vector<1320x64xf32> -> vector<1320x64xf32>
    %add3A_59 = arith.addf %dot_general3A_53, %dot_general3A_58 : vector<1320x64xf32>
    %swap3A = arith.constant 0 : index
    %swap3A_60 = arith.constant 0 : index
    %swap3A_61 = vector.load %arg7[%swap3A, %swap3A_60] : memref<1320x64xf32, #tpu.memory_space<vmem>>, vector<1320x64xf32>
    tpu.vector_store %arg7[%swap3A, %swap3A_60], %add3A_59 {strides = array<i32>} : memref<1320x64xf32, #tpu.memory_space<vmem>>, vector<1320x64xf32>,
    %iota3A_62 = tpu.iota {dimensions = array<i32: 0>} : vector<2280x1xi32>
    %jit3A_63 = arith.constant 24 : i32
    %div3A_64 = vector.broadcast %jit3A_63 : i32 to vector<2280x1xi32>
    %div3A_65 = arith.divsi %iota3A_62, %div3A_64 : vector<2280x1xi32>
    %sign3A_66 = arith.constant 0 : i32
    %sign3A_67 = vector.broadcast %sign3A_66 : i32 to vector<2280x1xi32>
    %sign3A_68 = arith.cmpi sgt, %iota3A_62, %sign3A_67 : vector<2280x1xi32>
    %sign3A_69 = arith.extui %sign3A_68 : vector<2280x1xi1> to vector<2280x1xi32>
    %sign3A_70 = arith.constant 0 : i32
    %sign3A_71 = vector.broadcast %sign3A_70 : i32 to vector<2280x1xi32>
    %sign3A_72 = arith.cmpi slt, %iota3A_62, %sign3A_71 : vector<2280x1xi32>
    %sign3A_73 = arith.extui %sign3A_72 : vector<2280x1xi1> to vector<2280x1xi32>
    %sign3A_74 = arith.subi %sign3A_69, %sign3A_73 : vector<2280x1xi32>
    %sign3A_75 = arith.constant 0 : i32
    %sign3A_76 = arith.cmpi sgt, %jit3A_63, %sign3A_75 : i32
    %sign3A_77 = arith.extui %sign3A_76 : i1 to i32
    %sign3A_78 = arith.constant 0 : i32
    %sign3A_79 = arith.cmpi slt, %jit3A_63, %sign3A_78 : i32
    %sign3A_80 = arith.extui %sign3A_79 : i1 to i32
    %sign3A_81 = arith.subi %sign3A_77, %sign3A_80 : i32
    %ne3A_82 = vector.broadcast %sign3A_81 : i32 to vector<2280x1xi32>
    %ne3A_83 = arith.cmpi ne, %sign3A_74, %ne3A_82 : vector<2280x1xi32>
    %rem3A_84 = vector.broadcast %jit3A_63 : i32 to vector<2280x1xi32>
    %rem3A_85 = arith.remsi %iota3A_62, %rem3A_84 : vector<2280x1xi32>
    %ne3A_86 = arith.constant 0 : i32
    %ne3A_87 = vector.broadcast %ne3A_86 : i32 to vector<2280x1xi32>
    %ne3A_88 = arith.cmpi ne, %rem3A_85, %ne3A_87 : vector<2280x1xi32>
    %and3A_89 = arith.andi %ne3A_83, %ne3A_88 : vector<2280x1xi1>
    %sub3A_90 = arith.constant 1 : i32
    %sub3A_91 = vector.broadcast %sub3A_90 : i32 to vector<2280x1xi32>
    %sub3A_92 = arith.subi %div3A_65, %sub3A_91 : vector<2280x1xi32>
    %select_n3A_93 = arith.select %and3A_89, %sub3A_92, %div3A_65 : vector<2280x1xi1>, vector<2280x1xi32>
    %iota3A_94 = tpu.iota {dimensions = array<i32: 1>} : vector<2280x95xi32>
    %eq3A_95 = vector.broadcast %select_n3A_93 : vector<2280x1xi32> to vector<2280x95xi32>
    %eq3A_96 = arith.cmpi eq, %eq3A_95, %iota3A_94 : vector<2280x95xi32>
    %jit3A_97 = arith.constant 24 : i32
    %eq3A_98 = arith.constant 0 : i32
    %eq3A_99 = arith.cmpi eq, %jit3A_97, %eq3A_98 : i32
    %jit3A_100 = arith.constant 1 : i32
    %select_n3A_101 = arith.select %eq3A_99, %jit3A_100, %jit3A_97 : i32
    %rem3A_102 = vector.broadcast %select_n3A_101 : i32 to vector<2280x1xi32>
    %rem3A_103 = arith.remsi %iota3A_62, %rem3A_102 : vector<2280x1xi32>
    %ne3A_104 = arith.constant 0 : i32
    %ne3A_105 = vector.broadcast %ne3A_104 : i32 to vector<2280x1xi32>
    %ne3A_106 = arith.cmpi ne, %rem3A_103, %ne3A_105 : vector<2280x1xi32>
    %lt3A_107 = arith.constant 0 : i32
    %lt3A_108 = vector.broadcast %lt3A_107 : i32 to vector<2280x1xi32>
    %lt3A_109 = arith.cmpi slt, %rem3A_103, %lt3A_108 : vector<2280x1xi32>
    %lt3A_110 = arith.constant 0 : i32
    %lt3A_111 = arith.cmpi slt, %select_n3A_101, %lt3A_110 : i32
    %ne3A_112 = vector.broadcast %lt3A_111 : i1 to vector<2280x1xi1>
    %ne3A_113 = vector.broadcast %ne3A_112 : vector<2280x1xi1> to vector<2280x1xi1>
    %ne3A_114 = arith.xori %lt3A_109, %ne3A_113 : vector<2280x1xi1>
    %and3A_115 = arith.andi %ne3A_114, %ne3A_106 : vector<2280x1xi1>
    %add3A_116 = vector.broadcast %select_n3A_101 : i32 to vector<2280x1xi32>
    %add3A_117 = arith.addi %rem3A_103, %add3A_116 : vector<2280x1xi32>
    %select_n3A_118 = arith.select %and3A_115, %add3A_117, %rem3A_103 : vector<2280x1xi1>, vector<2280x1xi32>
    %iota3A_119 = tpu.iota {dimensions = array<i32: 1>} : vector<2280x24xi32>
    %eq3A_120 = vector.broadcast %select_n3A_118 : vector<2280x1xi32> to vector<2280x24xi32>
    %eq3A_121 = arith.cmpi eq, %eq3A_120, %iota3A_119 : vector<2280x24xi32>
    %convert_element_type3A_122 = arith.extui %eq3A_96 : vector<2280x95xi1> to vector<2280x95xi32>
    %convert_element_type3A_123 = arith.sitofp %convert_element_type3A_122 : vector<2280x95xi32> to vector<2280x95xf32>
    %convert_element_type3A_124 = arith.extui %eq3A_121 : vector<2280x24xi1> to vector<2280x24xi32>
    %convert_element_type3A_125 = arith.sitofp %convert_element_type3A_124 : vector<2280x24xi32> to vector<2280x24xf32>
    %get3A_126 = arith.constant 0 : index
    %get3A_127 = arith.constant 0 : index
    %get3A_128 = vector.load %arg3[%get3A_126, %get3A_127] : memref<95x64xf32, #tpu.memory_space<vmem>>, vector<95x64xf32>
    %dot_general3A_129 = arith.constant dense<0.000000e+00> : vector<2280x64xf32>
    %dot_general3A_130 = tpu.matmul %convert_element_type3A_123, %get3A_128, %dot_general3A_129 {dimension_numbers = #tpu.dot_dimension_numbers<[1], [0], [0], [1], [0, 0, 1, 1], [], []>, precision = #tpu.contract_precision<fp32>, transpose_lhs_hint = false} : vector<2280x95xf32>, vector<95x64xf32>, vector<2280x64xf32> -> vector<2280x64xf32>
    %get3A_131 = arith.constant 0 : index
    %get3A_132 = arith.constant 0 : index
    %get3A_133 = vector.load %arg4[%get3A_131, %get3A_132] : memref<24x64xf32, #tpu.memory_space<vmem>>, vector<24x64xf32>
    %dot_general3A_134 = arith.constant dense<0.000000e+00> : vector<2280x64xf32>
    %dot_general3A_135 = tpu.matmul %convert_element_type3A_125, %get3A_133, %dot_general3A_134 {dimension_numbers = #tpu.dot_dimension_numbers<[1], [0], [0], [1], [0, 0, 1, 1], [], []>, precision = #tpu.contract_precision<fp32>, transpose_lhs_hint = false} : vector<2280x24xf32>, vector<24x64xf32>, vector<2280x64xf32> -> vector<2280x64xf32>
    %add3A_136 = arith.addf %dot_general3A_130, %dot_general3A_135 : vector<2280x64xf32>
    %swap3A_137 = arith.constant 0 : index
    %swap3A_138 = arith.constant 0 : index
    %swap3A_139 = vector.load %arg8[%swap3A_137, %swap3A_138] : memref<2280x64xf32, #tpu.memory_space<vmem>>, vector<2280x64xf32>
    tpu.vector_store %arg8[%swap3A_137, %swap3A_138], %add3A_136 {strides = array<i32>} : memref<2280x64xf32, #tpu.memory_space<vmem>>, vector<2280x64xf32>,
    %iota3A_140 = tpu.iota {dimensions = array<i32: 0>} : vector<2040x1xi32>
    %jit3A_141 = arith.constant 37 : i32
    %div3A_142 = vector.broadcast %jit3A_141 : i32 to vector<2040x1xi32>
    %div3A_143 = arith.divsi %iota3A_140, %div3A_142 : vector<2040x1xi32>
    %sign3A_144 = arith.constant 0 : i32
    %sign3A_145 = vector.broadcast %sign3A_144 : i32 to vector<2040x1xi32>
    %sign3A_146 = arith.cmpi sgt, %iota3A_140, %sign3A_145 : vector<2040x1xi32>
    %sign3A_147 = arith.extui %sign3A_146 : vector<2040x1xi1> to vector<2040x1xi32>
    %sign3A_148 = arith.constant 0 : i32
    %sign3A_149 = vector.broadcast %sign3A_148 : i32 to vector<2040x1xi32>
    %sign3A_150 = arith.cmpi slt, %iota3A_140, %sign3A_149 : vector<2040x1xi32>
    %sign3A_151 = arith.extui %sign3A_150 : vector<2040x1xi1> to vector<2040x1xi32>
    %sign3A_152 = arith.subi %sign3A_147, %sign3A_151 : vector<2040x1xi32>
    %sign3A_153 = arith.constant 0 : i32
    %sign3A_154 = arith.cmpi sgt, %jit3A_141, %sign3A_153 : i32
    %sign3A_155 = arith.extui %sign3A_154 : i1 to i32
    %sign3A_156 = arith.constant 0 : i32
    %sign3A_157 = arith.cmpi slt, %jit3A_141, %sign3A_156 : i32
    %sign3A_158 = arith.extui %sign3A_157 : i1 to i32
    %sign3A_159 = arith.subi %sign3A_155, %sign3A_158 : i32
    %ne3A_160 = vector.broadcast %sign3A_159 : i32 to vector<2040x1xi32>
    %ne3A_161 = arith.cmpi ne, %sign3A_152, %ne3A_160 : vector<2040x1xi32>
    %rem3A_162 = vector.broadcast %jit3A_141 : i32 to vector<2040x1xi32>
    %rem3A_163 = arith.remsi %iota3A_140, %rem3A_162 : vector<2040x1xi32>
    %ne3A_164 = arith.constant 0 : i32
    %ne3A_165 = vector.broadcast %ne3A_164 : i32 to vector<2040x1xi32>
    %ne3A_166 = arith.cmpi ne, %rem3A_163, %ne3A_165 : vector<2040x1xi32>
    %and3A_167 = arith.andi %ne3A_161, %ne3A_166 : vector<2040x1xi1>
    %sub3A_168 = arith.constant 1 : i32
    %sub3A_169 = vector.broadcast %sub3A_168 : i32 to vector<2040x1xi32>
    %sub3A_170 = arith.subi %div3A_143, %sub3A_169 : vector<2040x1xi32>
    %select_n3A_171 = arith.select %and3A_167, %sub3A_170, %div3A_143 : vector<2040x1xi1>, vector<2040x1xi32>
    %iota3A_172 = tpu.iota {dimensions = array<i32: 1>} : vector<2040x55xi32>
    %eq3A_173 = vector.broadcast %select_n3A_171 : vector<2040x1xi32> to vector<2040x55xi32>
    %eq3A_174 = arith.cmpi eq, %eq3A_173, %iota3A_172 : vector<2040x55xi32>
    %jit3A_175 = arith.constant 37 : i32
    %eq3A_176 = arith.constant 0 : i32
    %eq3A_177 = arith.cmpi eq, %jit3A_175, %eq3A_176 : i32
    %jit3A_178 = arith.constant 1 : i32
    %select_n3A_179 = arith.select %eq3A_177, %jit3A_178, %jit3A_175 : i32
    %rem3A_180 = vector.broadcast %select_n3A_179 : i32 to vector<2040x1xi32>
    %rem3A_181 = arith.remsi %iota3A_140, %rem3A_180 : vector<2040x1xi32>
    %ne3A_182 = arith.constant 0 : i32
    %ne3A_183 = vector.broadcast %ne3A_182 : i32 to vector<2040x1xi32>
    %ne3A_184 = arith.cmpi ne, %rem3A_181, %ne3A_183 : vector<2040x1xi32>
    %lt3A_185 = arith.constant 0 : i32
    %lt3A_186 = vector.broadcast %lt3A_185 : i32 to vector<2040x1xi32>
    %lt3A_187 = arith.cmpi slt, %rem3A_181, %lt3A_186 : vector<2040x1xi32>
    %lt3A_188 = arith.constant 0 : i32
    %lt3A_189 = arith.cmpi slt, %select_n3A_179, %lt3A_188 : i32
    %ne3A_190 = vector.broadcast %lt3A_189 : i1 to vector<2040x1xi1>
    %ne3A_191 = vector.broadcast %ne3A_190 : vector<2040x1xi1> to vector<2040x1xi1>
    %ne3A_192 = arith.xori %lt3A_187, %ne3A_191 : vector<2040x1xi1>
    %and3A_193 = arith.andi %ne3A_192, %ne3A_184 : vector<2040x1xi1>
    %add3A_194 = vector.broadcast %select_n3A_179 : i32 to vector<2040x1xi32>
    %add3A_195 = arith.addi %rem3A_181, %add3A_194 : vector<2040x1xi32>
    %select_n3A_196 = arith.select %and3A_193, %add3A_195, %rem3A_181 : vector<2040x1xi1>, vector<2040x1xi32>
    %iota3A_197 = tpu.iota {dimensions = array<i32: 1>} : vector<2040x37xi32>
    %eq3A_198 = vector.broadcast %select_n3A_196 : vector<2040x1xi32> to vector<2040x37xi32>
    %eq3A_199 = arith.cmpi eq, %eq3A_198, %iota3A_197 : vector<2040x37xi32>
    %convert_element_type3A_200 = arith.extui %eq3A_174 : vector<2040x55xi1> to vector<2040x55xi32>
    %convert_element_type3A_201 = arith.sitofp %convert_element_type3A_200 : vector<2040x55xi32> to vector<2040x55xf32>
    %convert_element_type3A_202 = arith.extui %eq3A_199 : vector<2040x37xi1> to vector<2040x37xi32>
    %convert_element_type3A_203 = arith.sitofp %convert_element_type3A_202 : vector<2040x37xi32> to vector<2040x37xf32>
    %get3A_204 = arith.constant 0 : index
    %get3A_205 = arith.constant 0 : index
    %get3A_206 = vector.load %arg5[%get3A_204, %get3A_205] : memref<55x64xf32, #tpu.memory_space<vmem>>, vector<55x64xf32>
    %dot_general3A_207 = arith.constant dense<0.000000e+00> : vector<2040x64xf32>
    %dot_general3A_208 = tpu.matmul %convert_element_type3A_201, %get3A_206, %dot_general3A_207 {dimension_numbers = #tpu.dot_dimension_numbers<[1], [0], [0], [1], [0, 0, 1, 1], [], []>, precision = #tpu.contract_precision<fp32>, transpose_lhs_hint = false} : vector<2040x55xf32>, vector<55x64xf32>, vector<2040x64xf32> -> vector<2040x64xf32>
    %get3A_209 = arith.constant 0 : index
    %get3A_210 = arith.constant 0 : index
    %get3A_211 = vector.load %arg6[%get3A_209, %get3A_210] : memref<37x64xf32, #tpu.memory_space<vmem>>, vector<37x64xf32>
    %dot_general3A_212 = arith.constant dense<0.000000e+00> : vector<2040x64xf32>
    %dot_general3A_213 = tpu.matmul %convert_element_type3A_203, %get3A_211, %dot_general3A_212 {dimension_numbers = #tpu.dot_dimension_numbers<[1], [0], [0], [1], [0, 0, 1, 1], [], []>, precision = #tpu.contract_precision<fp32>, transpose_lhs_hint = false} : vector<2040x37xf32>, vector<37x64xf32>, vector<2040x64xf32> -> vector<2040x64xf32>
    %add3A_214 = arith.addf %dot_general3A_208, %dot_general3A_213 : vector<2040x64xf32>
    %swap3A_215 = arith.constant 0 : index
    %swap3A_216 = arith.constant 0 : index
    %swap3A_217 = vector.load %arg9[%swap3A_215, %swap3A_216] : memref<2040x64xf32, #tpu.memory_space<vmem>>, vector<2040x64xf32>
    tpu.vector_store %arg9[%swap3A_215, %swap3A_216], %add3A_214 {strides = array<i32>} : memref<2040x64xf32, #tpu.memory_space<vmem>>, vector<2040x64xf32>,
    return
  }
  func.func @transform_0(%arg0: i32) -> (i32, i32) {
    %c0_i32 = arith.constant 0 : i32
    %c0_i32_0 = arith.constant 0 : i32
    %c0_i32_1 = arith.constant 0 : i32
    return %c0_i32, %c0_i32_0 : i32, i32
  }
  func.func @transform_1(%arg0: i32) -> (i32, i32) {
    %c0_i32 = arith.constant 0 : i32
    %c0_i32_0 = arith.constant 0 : i32
    %c0_i32_1 = arith.constant 0 : i32
    return %c0_i32, %c0_i32_0 : i32, i32
  }
  func.func @transform_2(%arg0: i32) -> (i32, i32) {
    %c0_i32 = arith.constant 0 : i32
    %c0_i32_0 = arith.constant 0 : i32
    %c0_i32_1 = arith.constant 0 : i32
    return %c0_i32, %c0_i32_0 : i32, i32
  }
  func.func @transform_3(%arg0: i32) -> (i32, i32) {
    %c0_i32 = arith.constant 0 : i32
    %c0_i32_0 = arith.constant 0 : i32
    %c0_i32_1 = arith.constant 0 : i32
    return %c0_i32, %c0_i32_0 : i32, i32
  }
  func.func @transform_4(%arg0: i32) -> (i32, i32) {
    %c0_i32 = arith.constant 0 : i32
    %c0_i32_0 = arith.constant 0 : i32
    %c0_i32_1 = arith.constant 0 : i32
    return %c0_i32, %c0_i32_0 : i32, i32
  }
  func.func @transform_5(%arg0: i32) -> (i32, i32) {
    %c0_i32 = arith.constant 0 : i32
    %c0_i32_0 = arith.constant 0 : i32
    %c0_i32_1 = arith.constant 0 : i32
    return %c0_i32, %c0_i32_0 : i32, i32
  }
  func.func @transform_6(%arg0: i32) -> (i32, i32) {
    %c0_i32 = arith.constant 0 : i32
    %c0_i32_0 = arith.constant 0 : i32
    return %arg0, %c0_i32 : i32, i32
  }
  func.func @transform_7(%arg0: i32) -> (i32, i32) {
    %c0_i32 = arith.constant 0 : i32
    %c0_i32_0 = arith.constant 0 : i32
    return %arg0, %c0_i32 : i32, i32
  }
  func.func @transform_8(%arg0: i32) -> (i32, i32) {
    %c0_i32 = arith.constant 0 : i32
    %c0_i32_0 = arith.constant 0 : i32
    return %arg0, %c0_i32 : i32, i32
  }
}

module attributes {stable_mosaic.version = 14 : i64} {
  func.func @body(%arg0: i32, %arg1: memref<8192x64xf32, #tpu.memory_space<vmem>>, %arg2: memref<8192x64xf32, #tpu.memory_space<vmem>>, %arg3: memref<1x64xf32, #tpu.memory_space<vmem>>, %arg4: memref<1x64xf32, #tpu.memory_space<vmem>>, %arg5: memref<8192x64xf32, #tpu.memory_space<vmem>>) attributes {dimension_semantics = [#tpu.dimension_semantics<arbitrary>], iteration_bounds = array<i64: 100>, scalar_prefetch = 0 : i64, scratch_operands = 0 : i64, tpu.core_type = #tpu.core_type<tc>, window_params = [{transform_indices = @transform_0, window_bounds = array<i64: 8192, 64>}, {transform_indices = @transform_1, window_bounds = array<i64: 8192, 64>}, {pipeline_mode = #tpu.pipeline_mode<synchronous>, transform_indices = @transform_2, window_bounds = array<i64: 1, 64>}, {pipeline_mode = #tpu.pipeline_mode<synchronous>, transform_indices = @transform_3, window_bounds = array<i64: 1, 64>}, {transform_indices = @transform_4, window_bounds = array<i64: 8192, 64>}]} {
    %get3A = arith.constant 0 : index
    %get3A_0 = arith.constant 0 : index
    %get3A_1 = vector.load %arg1[%get3A, %get3A_0] : memref<8192x64xf32, #tpu.memory_space<vmem>>, vector<8192x64xf32>
    %get3A_2 = arith.constant 0 : index
    %get3A_3 = arith.constant 0 : index
    %get3A_4 = vector.load %arg2[%get3A_2, %get3A_3] : memref<8192x64xf32, #tpu.memory_space<vmem>>, vector<8192x64xf32>
    %add3A = arith.addf %get3A_1, %get3A_4 : vector<8192x64xf32>
    %reduce_sum3A = arith.constant dense<0.000000e+00> : vector<8192xf32>
    %reduce_sum3A_5 = vector.multi_reduction <add>, %add3A, %reduce_sum3A [1] : vector<8192x64xf32> to vector<8192xf32>
    %broadcast_in_dim3A = vector.shape_cast %reduce_sum3A_5 : vector<8192xf32> to vector<8192x1xf32>
    %div3A = arith.constant 6.400000e+01 : f32
    %div3A_6 = vector.broadcast %div3A : f32 to vector<8192x1xf32>
    %div3A_7 = arith.divf %broadcast_in_dim3A, %div3A_6 : vector<8192x1xf32>
    %sub3A = vector.broadcast %div3A_7 : vector<8192x1xf32> to vector<8192x64xf32>
    %sub3A_8 = arith.subf %add3A, %sub3A : vector<8192x64xf32>
    %mul3A = arith.mulf %sub3A_8, %sub3A_8 : vector<8192x64xf32>
    %reduce_sum3A_9 = arith.constant dense<0.000000e+00> : vector<8192xf32>
    %reduce_sum3A_10 = vector.multi_reduction <add>, %mul3A, %reduce_sum3A_9 [1] : vector<8192x64xf32> to vector<8192xf32>
    %broadcast_in_dim3A_11 = vector.shape_cast %reduce_sum3A_10 : vector<8192xf32> to vector<8192x1xf32>
    %div3A_12 = arith.constant 6.400000e+01 : f32
    %div3A_13 = vector.broadcast %div3A_12 : f32 to vector<8192x1xf32>
    %div3A_14 = arith.divf %broadcast_in_dim3A_11, %div3A_13 : vector<8192x1xf32>
    %add3A_15 = arith.constant 9.99999974E-6 : f32
    %add3A_16 = vector.broadcast %add3A_15 : f32 to vector<8192x1xf32>
    %add3A_17 = arith.addf %div3A_14, %add3A_16 : vector<8192x1xf32>
    %rsqrt3A = math.rsqrt %add3A_17 : vector<8192x1xf32>
    %mul3A_18 = vector.broadcast %rsqrt3A : vector<8192x1xf32> to vector<8192x64xf32>
    %mul3A_19 = arith.mulf %sub3A_8, %mul3A_18 : vector<8192x64xf32>
    %get3A_20 = arith.constant 0 : index
    %get3A_21 = arith.constant 0 : index
    %get3A_22 = vector.load %arg3[%get3A_20, %get3A_21] : memref<1x64xf32, #tpu.memory_space<vmem>>, vector<1x64xf32>
    %mul3A_23 = vector.broadcast %get3A_22 : vector<1x64xf32> to vector<8192x64xf32>
    %mul3A_24 = arith.mulf %mul3A_19, %mul3A_23 : vector<8192x64xf32>
    %get3A_25 = arith.constant 0 : index
    %get3A_26 = arith.constant 0 : index
    %get3A_27 = vector.load %arg4[%get3A_25, %get3A_26] : memref<1x64xf32, #tpu.memory_space<vmem>>, vector<1x64xf32>
    %add3A_28 = vector.broadcast %get3A_27 : vector<1x64xf32> to vector<8192x64xf32>
    %add3A_29 = arith.addf %mul3A_24, %add3A_28 : vector<8192x64xf32>
    %swap3A = arith.constant 0 : index
    %swap3A_30 = arith.constant 0 : index
    %swap3A_31 = vector.load %arg5[%swap3A, %swap3A_30] : memref<8192x64xf32, #tpu.memory_space<vmem>>, vector<8192x64xf32>
    tpu.vector_store %arg5[%swap3A, %swap3A_30], %add3A_29 {strides = array<i32>} : memref<8192x64xf32, #tpu.memory_space<vmem>>, vector<8192x64xf32>,
    return
  }
  func.func @transform_0(%arg0: i32) -> (i32, i32) {
    %c0_i32 = arith.constant 0 : i32
    %c0_i32_0 = arith.constant 0 : i32
    return %arg0, %c0_i32 : i32, i32
  }
  func.func @transform_1(%arg0: i32) -> (i32, i32) {
    %c0_i32 = arith.constant 0 : i32
    %c0_i32_0 = arith.constant 0 : i32
    return %arg0, %c0_i32 : i32, i32
  }
  func.func @transform_2(%arg0: i32) -> (i32, i32) {
    %c0_i32 = arith.constant 0 : i32
    %c0_i32_0 = arith.constant 0 : i32
    %c0_i32_1 = arith.constant 0 : i32
    return %c0_i32, %c0_i32_0 : i32, i32
  }
  func.func @transform_3(%arg0: i32) -> (i32, i32) {
    %c0_i32 = arith.constant 0 : i32
    %c0_i32_0 = arith.constant 0 : i32
    %c0_i32_1 = arith.constant 0 : i32
    return %c0_i32, %c0_i32_0 : i32, i32
  }
  func.func @transform_4(%arg0: i32) -> (i32, i32) {
    %c0_i32 = arith.constant 0 : i32
    %c0_i32_0 = arith.constant 0 : i32
    return %arg0, %c0_i32 : i32, i32
  }
}

</mosaic_0001>

<sc_bundles>
// kernel: kernel.6.cloned.1.call-start
scs
__scs_entry_jumppad:
0x0: {  	(pc) =	sbr.rel $0x88, $3  }
0x1: {  	(tag) =	ssettag $0x0;
	lr =	simm.s32 $0x1  }
0x2: {  	[smem:$0x3F92] =	sst lr;
	_ =	strace $0xD0000000  }
0x3: {  	_ = 	snop  }
0x4: {  	_ = 	snop  }
0x5: {  	_ = 	snop  }
0x6: {  	_ = 	snop  }
0x7: {  	_ = 	snop  }
__scs_overlays_trampoline_lowered:
0x8: {  	[smem:$0x3FA1] =	sst s0  }
0x9: {  	[smem:$0x3FA2] =	sst s1  }
0xa: {  	[smem:$0x3FA3] =	sst s2  }
0xb: {  	[smem:$0x3FA4] =	sst s3  }
0xc: {  	[smem:$0x3FA5] =	sst s4  }
0xd: {  	[smem:$0x3FA6] =	sst s5  }
0xe: {  	[smem:$0x3FA7] =	sst s6  }
0xf: {  	[smem:$0x3FA8] =	sst s7  }
0x10: {  	[smem:$0x3FA9] =	sst s8  }
0x11: {  	[smem:$0x3FAA] =	sst s9;
	s0 =	simm.s32 @!p0 $0x0  }
0x12: {  	s1 =	sld [smem:$0x3F90];
	s0 =	simm.s32 @p0 $0x1  }
0x13: {  	[smem:$0x3FAB] =	sst s0;
	s0 =	simm.s32 @!p1 $0x0  }
0x14: {  	s2 =	sld [smem:$0x3F8F];
	s0 =	simm.s32 @p1 $0x1  }
0x15: {  	[smem:$0x3FAC] =	sst s0;
	s0 =	simm.s32 @!p2 $0x0  }
0x16: {  	s3 =	sld [smem:$0x3FDB];
	s0 =	simm.s32 @p2 $0x1  }
0x17: {  	s4 =	simm.s32 $0x1BF5;
	[smem:$0x3FAE] =	sst s0  }
0x18: {  	s0 =	sld [smem:$0x3F91];
	_ =	swait.ge [sflag:s4], $0x0  }
0x19: {  	s7 =	sld [smem:$0x3F92]  }
0x1a: {  	s8 =	sadd.s32 $0xFFFFE003, lr  }
0x1b: {  	s9 =	sadd.s32 $0xFFFFFEF7, lr;
	s5 =	simm.s32 $0xFFFFFFFF;
	p2 =	slt.u32 s8, $0xFFFFF086  }
0x1c: {  	p1 =	slt.u32 s9, $0xF7A;
	s5 =	simm.s32 @!p2 $0x0  }
0x1d: {  	s5 =	simm.s32 @p1 $0x1;
	p0 =	seq.s32 s7, s2  }
0x1e: {  	s7 =	smul.u32 @!p0 $0xF7A, s2;
	p2 =	seq.s32 @!p0 s5, $0x0  }
0x1f: {  	s9 =	smul.u32 $0xF7A, s1;
	s8 =	simm.s32 @!p0 $0x1BF5;
	p2 =	por !p2, p0  }
0x20: {  	[sflag:s8] =	ssyncset.s32 @!p0 $0xFFFFF086;
	s6 =	sadd.s32 @!p0 s3, s7;
	s7 =	simm.s32 @!p0 $0x108  }
0x21: {  	s3 =	sadd.s32 s3, s9;
	s6 =	sadd.s32 @!p0 $0x88, s6;
	s7 =	simm.s32 @p2 $0x1082  }
0x22: {  	[simem:s7], [sflag:s8] =	dma.local @!p0 [hbm:s6], $0xF7A  }
0x23: {  	s9 =	sor.u32 $0xD0000000, s2;
	s6 =	simm.s32 $0x108;
	_ =	swait.ge @!p0 [sflag:s8], $0x0  }
0x24: {  	s3 =	sadd.s32 $0x88, s3;
	s6 =	simm.s32 @!p1 $0x1082;
	[sflag:s4] =	ssyncset.s32 $0xFFFFF086  }
0x25: {  	[simem:s6], [sflag:s4] =	dma.local [hbm:s3], $0xF7A  }
0x26: {  	[smem:$0x3F92] =	sst s1;
	(tag) =	ssettag s2;
	_ =	strace s9  }
0x27: {  	s1 =	sld [smem:$0x3FA2]  }
0x28: {  	s2 =	sld [smem:$0x3FA3]  }
0x29: {  	s4 =	sld [smem:$0x3FA5]  }
0x2a: {  	p0 =	seq.s32 s5, $0x0;
	s5 =	sld [smem:$0x3FA6]  }
0x2b: {  	s6 =	sld [smem:$0x3FA7]  }
0x2c: {  	s7 =	sld [smem:$0x3FA8]  }
0x2d: {  	s3 =	simm.s32 $0x108;
	s8 =	sld [smem:$0x3FA9]  }
0x2e: {  	s3 =	simm.s32 @!p0 $0x1082;
	s9 =	sld [smem:$0x3FAA]  }
0x2f: {  	lr =	sadd.s32 s0, s3;
	s0 =	sld [smem:$0x3FA1]  }
0x30: {  	s3 =	sld [smem:$0x3FA4]  }
0x31: {  	[smem:$0x3FAD] =	sst s10  }
0x32: {  	s10 =	sld [smem:$0x3FAB];
	_ =	sdelay $0x3  }
0x33: {  	p0 =	seq.s32 s10, $0x1;
	s10 =	sld [smem:$0x3FAD];
	_ =	sdelay $0x3  }
0x34: {  	[smem:$0x3FAD] =	sst s10  }
0x35: {  	s10 =	sld [smem:$0x3FAC];
	_ =	sdelay $0x3  }
0x36: {  	p1 =	seq.s32 s10, $0x1;
	s10 =	sld [smem:$0x3FAD];
	_ =	sdelay $0x3  }
0x37: {  	[smem:$0x3FAD] =	sst s10  }
0x38: {  	s10 =	sld [smem:$0x3FAE]  }
0x39: {  	_ = 	snop;
	(pc) =	sbr.ind lr, $3  }
0x3a: {  	_ = 	snop  }
0x3b: {  	_ = 	snop  }
0x3c: {  	p2 =	seq.s32 s10, $0x1;
	s10 =	sld [smem:$0x3FAD]  }
0x3d: {  	_ =	shalt  }
0x3e: {  	_ =	shalt  }
0x3f: {  	_ =	shalt  }
0x40: {  	_ =	shalt  }
0x41: {  	_ =	shalt  }
0x42: {  	_ =	shalt  }
0x43: {  	_ =	shalt  }
0x44: {  	_ =	shalt  }
0x45: {  	_ =	shalt  }
0x46: {  	_ =	shalt  }
0x47: {  	_ =	shalt  }
0x48: {  	_ =	shalt  }
0x49: {  	_ =	shalt  }
0x4a: {  	_ =	shalt  }
0x4b: {  	_ =	shalt  }
0x4c: {  	_ =	shalt  }
0x4d: {  	_ =	shalt  }
0x4e: {  	_ =	shalt  }
0x4f: {  	_ =	shalt  }
0x50: {  	_ =	shalt  }
0x51: {  	_ =	shalt  }
0x52: {  	_ =	shalt  }
0x53: {  	_ =	shalt  }
0x54: {  	_ =	shalt  }
0x55: {  	_ =	shalt  }
0x56: {  	_ =	shalt  }
0x57: {  	_ =	shalt  }
0x58: {  	_ =	shalt  }
0x59: {  	_ =	shalt  }
0x5a: {  	_ =	shalt  }
0x5b: {  	_ =	shalt  }
0x5c: {  	_ =	shalt  }
0x5d: {  	_ =	shalt  }
0x5e: {  	_ =	shalt  }
0x5f: {  	_ =	shalt  }
0x60: {  	_ =	shalt  }
0x61: {  	_ =	shalt  }
0x62: {  	_ =	shalt  }
0x63: {  	_ =	shalt  }
0x64: {  	_ =	shalt  }
0x65: {  	_ =	shalt  }
0x66: {  	_ =	shalt  }
0x67: {  	_ =	shalt  }
0x68: {  	_ =	shalt  }
0x69: {  	_ =	shalt  }
0x6a: {  	_ =	shalt  }
0x6b: {  	_ =	shalt  }
0x6c: {  	_ =	shalt  }
0x6d: {  	_ =	shalt  }
0x6e: {  	_ =	shalt  }
0x6f: {  	_ =	shalt  }
0x70: {  	_ =	shalt  }
0x71: {  	_ =	shalt  }
0x72: {  	_ =	shalt  }
0x73: {  	_ =	shalt  }
0x74: {  	_ =	shalt  }
0x75: {  	_ =	shalt  }
0x76: {  	_ =	shalt  }
0x77: {  	_ =	shalt  }
0x78: {  	_ =	shalt  }
0x79: {  	_ =	shalt  }
0x7a: {  	_ =	shalt  }
0x7b: {  	_ =	shalt  }
0x7c: {  	_ =	shalt  }
0x7d: {  	_ =	shalt  }
0x7e: {  	_ =	shalt  }
0x7f: {  	_ =	shalt  }
0x80: {  	_ =	shalt  }
0x81: {  	_ =	shalt  }
0x82: {  	_ =	shalt  }
0x83: {  	_ =	shalt  }
0x84: {  	_ =	shalt  }
0x85: {  	_ =	shalt  }
0x86: {  	_ =	shalt  }
0x87: {  	_ =	shalt  }
.Lfunc_end0:
.L_simem_size_0:
called_computation.1_lowered:
.L_overlay_start_0:
0x88: {  	s2 =	sld [smem:$0x3FD9]  }
0x89: {  	s3 =	sld [smem:$0x3FFE];
	_ =	sdelay $0x1  }
0x8a: {  	s1 =	srdreg.scid  }
0x8b: {  	s0 =	sand.u32 $0x1, s1  }
0x8c: {  	s17 =	sshll.u32 s0, $0xA;
	s2 =	sadd.s32 s3, s2  }
0x8d: {  	s2 =	sadd.s32 s2, s17  }
0x8e: {  	[smem:$0x3FB9] =	sst s2  }
0x8f: {  	_ = 	snop  }
0x90: {  	s2 =	sld [smem:$0x3FD0];
	(tm) =	ssettm $0x1  }
0x91: {  	s18 =	sld [smem:$0x3FFB];
	_ =	sdelay $0x3  }
0x92: {  	_ =	strace s18  }
0x93: {  	s3 =	sld [smem:$0x3FFC];
	_ =	sdelay $0x3  }
0x94: {  	_ =	strace s3  }
0x95: {  	s3 =	sld [smem:$0x3FFD];
	_ =	sdelay $0x3  }
0x96: {  	_ =	strace s3  }
0x97: {  	_ =	strace $0x8FFFFFFF  }
0x98: {  	s19 =	sld [smem:$0x3FDB];
	_ =	sdelay $0x1  }
0x99: {  	s4 =	simm.s32 $_scs_section_size  }
0x9a: {  	s5 =	simm.s32 $_size__tile_overlayer_lowered;
	s6 =	simm.s32 $_tile_overlayer_lowered  }
0x9b: {  	s22 =	simm.s32 $0x1BFF;
	s21 =	sshll.u32 s6, $0x1;
	s3 =	sadd.s32 s4, s19  }
0x9c: {  	s7 =	simm.s32 $0x0;
	s20 =	sshll.u32 s5, $0x1;
	s5 =	sadd.s32 s21, s3  }
0x9d: {  	[timem:s7], [sflag:s22] =	dma.local [hbm:s5], s20  }
0x9e: {  	_ =	swait.ge [sflag:s22], s20  }
0x9f: {  	s4 =	ssub.s32 $0x0, s20;
	[sflag:s22] =	ssyncset.done $0x0  }
0xa0: {  	[sflag:s22] =	ssyncadd.s32 s4;
	_ =	sdelay $0x1  }
0xa1: {  	s23 =	simm.s32 $0x1B8B  }
0xa2: {  	_ =	swait.ge [sflag:s23], $0x1  }
0xa3: {  	[sflag:s23] =	ssyncset.done $0x0  }
0xa4: {  	s25 =	simm.s32 $0x1B8E;
	s24 =	sld [smem:$0x3FFE];
	[sflag:s23] =	ssyncadd.s32 $0xFFFFFFFF  }
0xa5: {  	s26 =	simm.s32 $execute0_lowered;
	[smem:$0x3FD2] =	sst s25  }
0xa6: {  	s5 =	sshll.u32 s26, $0x1;
	_ =	strace $0x80000046;
	[dreg:$0x1] =	wrdreg $0xFFFFFFFF  }
0xa7: {  	s28 =	simm.s32 $_size_execute0_lowered;
	s3 =	sadd.s32 s3, s5;
	[dreg:$0x0] =	wrdreg $0x0  }
0xa8: {  	s5 =	sshll.u32 s28, $0x1;
	[dreg:$0x2] =	wrdreg s3  }
0xa9: {  	[dreg:$0x3] =	wrdreg s5  }
0xaa: {  	[dreg:$0x4] =	wrdreg $0xC0  }
0xab: {  	_ =	task [dreg:s7], $0x5FFFF  }
0xac: {  	[dreg:$0x1] =	wrdreg $0xFFFFFFFF  }
0xad: {  	[dreg:$0x0] =	wrdreg $0x60  }
0xae: {  	[dreg:$0x2] =	wrdreg s24  }
0xaf: {  	[dreg:$0x3] =	wrdreg s2  }
0xb0: {  	[dreg:$0x4] =	wrdreg $0x9  }
0xb1: {  	_ =	task.clear_ibuf [dreg:s7], $0x5FFFF;
	_ =	strace $0x90000046  }
0xb2: {  	s29 =	simm.s32 $0x9;
	_ =	strace $0x80000048  }
0xb3: {  	_ =	swait.ge [sflag:s29], $0x1  }
0xb4: {  	[sflag:s29] =	ssyncadd.s32 $0xFFFFFFFF  }
0xb5: {  	_ =	strace $0x90000048  }
0xb6: {  	_ =	sfence  }
0xb7: {  	s30 =	sld [smem:$0x0];
	_ =	sdelay $0x2  }
0xb8: {  	s31 =	sshll.u32 s1, $0xD;
	s1 =	sshrl.u32 s1, $0x2  }
0xb9: {  	s3 =	sand.u32 $0x4000, s31;
	s1 =	sadd.s32 s1, s30  }
0xba: {  	s0 =	sor.u32 s3, s0;
	s1 =	sshll.u32 s1, $0x11  }
0xbb: {  	s0 =	sor.u32 s1, s0  }
0xbc: {  	s0 =	sadd.s32 $0x8F2B, s0  }
0xbd: {  	[sflag:s0] =	ssyncadd.remote.s32 $0x1  }
0xbe: {  	_ =	sfence.sel $0xFFFF  }
0xbf: {  	[dreg:$0x0] =	wrdreg $0xFFFFFFFF;
	(pc) =	sbr.abs _section_cstart, $3  }
0xc0: {  	[dreg:$0x1] =	wrdreg $0xFFFFFFFF  }
0xc1: {  	_ =	task.clear_ibuf [dreg:s7], $0x2FFFF;
	_ =	strace $0x9FFFFFFF  }
0xc2: {  	(tm) =	ssettm $0x7FFFFFFF  }
0xc3: {  	_ =	shalt  }
tec
execute0_lowered:
.L_overlay_start_1:
0x0: {  	(tag) =	ssettag $0x1  }
0x1: {  	s0 =	srdreg.scid;
	s1 =	rddreg [dreg:$0x0]  }
0x2: {  	s12 =	stileid.u32;
	s6 =	rddreg [dreg:$0x1]  }
0x3: {  	s20 =	simm.s32 $0x0;
	s14 =	simm.s32 $0x1800;
	s17 =	simm.s32 $0x5800  }
0x4: {  	s19 =	simm.s32 $0x7800;
	s28 =	simm.s32 $0x3;
	s29 =	simm.s32 $0x5  }
0x5: {  	s15 =	simm.s32 $0x0;
	s0 =	sand.u32 $0x1, s0;
	s10 =	smul.u32 $0x320000, s12  }
0x6: {  	s2 =	sshll.u32 s12, $0x1;
	[smem:$0x7FF] =	sst s20;
	s12 =	smul.u32 $0xC800, s12  }
0x7: {  	s9 =	sadd.s32 $0x1E00, s1;
	s5 =	sadd.s32 $0x19E600, s1;
	s11 =	smul.u32 $0x190000, s0  }
0x8: {  	s3 =	sor.u32 s0, s2;
	s21 =	ssub.s32 $0x2, s0;
	s0 =	smul.u32 $0x6400, s0  }
0x9: {  	s4 =	sadd.s32 $0x4CE00, s1;
	_ =	strace $0x80000047;
	s7 =	smul.u32 $0xC80, s3  }
0xa: {  	s2 =	simm.s32 $0x0;
	s8 =	smul.u32 $0x6400, s3;
	s13 =	sshrl.u32 s21, $0x1  }
0xb: {  	s3 =	sadd.s32 $0x14BE00, s1;
	s1 =	ssub.s32 s21, s13;
	s25 =	sadd.s32 s11, s10  }
0xc: {  	s0 =	sadd.s32 s0, s12;
	s13 =	simm.s32 $0x80;
	s21 =	simm.s32 $0x2  }
0xd: {  	s8 =	sshrl.u32 s8, $0x3;
	s22 =	sadd.s32 s9, s7;
	s1 =	smax.u32 s1, $0x1  }
0xe: {  	s26 =	sshrl.u32 s25, $0x3;
	s30 =	sshll.u32 s0, $0x3;
	s0 =	sadd.s32 $0x800, s0  }
0xf: {  	s25 =	simm.s32 $0xF800;
	[dreg:$0x5] =	wrdreg s22;
	s23 =	sadd.s32 s9, s8  }
0x10: {  	[dreg:$0x7] =	wrdreg s1;
	s1 =	sadd.s32 s26, s6;
	s6 =	sadd.s32 s30, s6  }
0x11: {  	s0 =	sshrl.u32 s0, $0x3;
	s24 =	sadd.s32 $0x80, s23;
	[dreg:$0x3] =	wrdreg s1  }
0x12: {  	s22 =	simm.s32 $0x9800;
	s0 =	sadd.s32 s0, s9;
	[dreg:$0x6] =	wrdreg s24  }
0x13: {  	s26 =	simm.s32 $0x4;
	s31 =	sadd.s32 $0x1000, s6;
	[dreg:$0x8] =	wrdreg s0  }
0x14: {  	s23 =	simm.s32 $0xB800;
	[dreg:$0x4] =	wrdreg s31;
	s24 =	simm.s32 $0xD800  }
.LBB2_1:
0x15: {  	[dreg:$0x9] =	wrdreg s2  }
0x16: {  	s1 =	simm.s32 $0x0;
	s0 =	rddreg [dreg:$0x5]  }
0x17: {  	s10 =	simm.s32 $0x400;
	s6 =	simm.s32 $0xC8000;
	s11 =	simm.s32 $0x1  }
0x18: {  	[tilespmem:s1], [sflag:$0x1] =	stream.strided.gather [hbm4b:s0+s10], $0xC00, s6, s10, $0x38;
	[tilespmem:$0x11800] =	vst v63  }
0x19: {  	_ =	swait.ge [sflag:s11], $0xC00  }
0x1a: {  	[sflag:s11] =	ssyncset.done $0x0  }
0x1b: {  	[sflag:s11] =	ssyncadd.s32 $0xFFFFF400  }
0x1c: {  	[tilespmem:s14], [sflag:$0x2] =	stream.indirect.gather [hbm4b:s3+s13], $0x40, s1, s13, $0xb8;
	[tilespmem:$0x11800] =	vst v63  }
0x1d: {  	s7 =	simm.s32 $0x3800  }
0x1e: {  	[tilespmem:s7], [sflag:$0x2] =	stream.indirect.gather [hbm4b:s3+s13], $0x40, s13, s13, $0xb8;
	[tilespmem:$0x11800] =	vst v63  }
0x1f: {  	s12 =	simm.s32 $0x100  }
0x20: {  	[tilespmem:s17], [sflag:$0x2] =	stream.indirect.gather [hbm4b:s3+s13], $0x40, s12, s13, $0xb8;
	[tilespmem:$0x11800] =	vst v63  }
0x21: {  	s16 =	simm.s32 $0x180;
	s0 =	sand.u32 $0x1, s1  }
0x22: {  	[tilespmem:s19], [sflag:$0x2] =	stream.indirect.gather [hbm4b:s3+s13], $0x40, s16, s13, $0xb8;
	[tilespmem:$0x11800] =	vst v63  }
0x23: {  	s8 =	simm.s32 $0xC00;
	s20 =	smul.u32 $0x3000, s0;
	s18 =	rddreg [dreg:$0x6]  }
0x24: {  	[tilespmem:s8], [sflag:$0x1] =	stream.strided.gather [hbm4b:s18+s10], $0xC00, s6, s10, $0x38;
	[tilespmem:$0x11800] =	vst v63  }
0x25: {  	_ =	swait.ge [sflag:s21], $0x8000  }
0x26: {  	s20 =	sshrl.u32 s20, $0x2;
	[sflag:s21] =	ssyncset.done $0x0  }
0x27: {  	s6 =	sadd.s32 $0x400, s20;
	[sflag:s21] =	ssyncadd.s32 $0xFFFF8000  }
0x28: {  	[tilespmem:s14], [sflag:$0x4] =	stream.indirect.gather.add.f32 [hbm:s4], $0x40, s6, s13, $0xb8;
	[tilespmem:$0x11800] =	vst v63  }
0x29: {  	s31 =	sadd.s32 $0x480, s20  }
0x2a: {  	[tilespmem:s7], [sflag:$0x4] =	stream.indirect.gather.add.f32 [hbm:s4], $0x40, s31, s13, $0xb8;
	[tilespmem:$0x11800] =	vst v63  }
0x2b: {  	s2 =	sadd.s32 $0x500, s20  }
0x2c: {  	[tilespmem:s17], [sflag:$0x4] =	stream.indirect.gather.add.f32 [hbm:s4], $0x40, s2, s13, $0xb8;
	[tilespmem:$0x11800] =	vst v63  }
0x2d: {  	s8 =	sadd.s32 $0x580, s20  }
0x2e: {  	[tilespmem:s19], [sflag:$0x4] =	stream.indirect.gather.add.f32 [hbm:s4], $0x40, s8, s13, $0xb8;
	[tilespmem:$0x11800] =	vst v63  }
0x2f: {  	s9 =	sadd.s32 $0x800, s20  }
0x30: {  	[tilespmem:s14], [sflag:$0x4] =	stream.indirect.gather.add.f32 [hbm:s5], $0x40, s9, s13, $0xb8;
	[tilespmem:$0x11800] =	vst v63  }
0x31: {  	s10 =	sadd.s32 $0x880, s20  }
0x32: {  	[tilespmem:s7], [sflag:$0x4] =	stream.indirect.gather.add.f32 [hbm:s5], $0x40, s10, s13, $0xb8;
	[tilespmem:$0x11800] =	vst v63  }
0x33: {  	p0 =	por $0x1, $0x1;
	s11 =	sadd.s32 $0x900, s20  }
0x34: {  	[tilespmem:s17], [sflag:$0x4] =	stream.indirect.gather.add.f32 [hbm:s5], $0x40, s11, s13, $0xb8;
	[tilespmem:$0x11800] =	vst v63  }
0x35: {  	s12 =	sadd.s32 $0x980, s20;
	s7 =	simm.s32 @!p0 $0x7  }
0x36: {  	[tilespmem:s19], [sflag:$0x4] =	stream.indirect.gather.add.f32 [hbm:s5], $0x40, s12, s13, $0xb8;
	[tilespmem:$0x11800] =	vst v63  }
0x37: {  	_ =	swait.ge @!p0 [sflag:s7], $0x8000  }
0x38: {  	[sflag:s7] =	ssyncset.done @!p0 $0x0  }
0x39: {  	s16 =	sadd.s32 $0x200, s20;
	[sflag:s7] =	ssyncadd.s32 @!p0 $0xFFFF8000  }
0x3a: {  	[tilespmem:s22], [sflag:$0x3] =	stream.indirect.gather [hbm4b:s3+s13], $0x40, s16, s13, $0xb8;
	[tilespmem:$0x11800] =	vst v63  }
0x3b: {  	s18 =	sadd.s32 $0x280, s20  }
0x3c: {  	[tilespmem:s23], [sflag:$0x3] =	stream.indirect.gather [hbm4b:s3+s13], $0x40, s18, s13, $0xb8;
	[tilespmem:$0x11800] =	vst v63  }
0x3d: {  	s31 =	sadd.s32 $0x300, s20  }
0x3e: {  	[tilespmem:s24], [sflag:$0x3] =	stream.indirect.gather [hbm4b:s3+s13], $0x40, s31, s13, $0xb8;
	[tilespmem:$0x11800] =	vst v63  }
0x3f: {  	s2 =	sadd.s32 $0x380, s20  }
0x40: {  	[tilespmem:s25], [sflag:$0x3] =	stream.indirect.gather [hbm4b:s3+s13], $0x40, s2, s13, $0xb8;
	[tilespmem:$0x11800] =	vst v63  }
0x41: {  	_ =	swait.ge [sflag:s26], $0x8000  }
0x42: {  	[sflag:s26] =	ssyncset.done $0x0  }
0x43: {  	[sflag:s26] =	ssyncadd.s32 $0xFFFF8000  }
0x44: {  	_ =	swait.ge [sflag:s26], $0x8000  }
0x45: {  	s7 =	rddreg [dreg:$0x3];
	[sflag:s26] =	ssyncset.done $0x0  }
0x46: {  	[sflag:s26] =	ssyncadd.s32 $0xFFFF8000;
	s6 =	sadd.s32 $0x0, s7  }
0x47: {  	[hbm4b:s6+s1] =	stream.linear.scatter [tilespmem:s14], [sflag:$0x6], $0x8000, $0x38;
	[tilespmem:$0x11800] =	vst v63  }
0x48: {  	_ =	swait.ge [sflag:s28], $0x8000  }
0x49: {  	[sflag:s28] =	ssyncset.done $0x0  }
0x4a: {  	s8 =	sadd.s32 $0x600, s20;
	[sflag:s28] =	ssyncadd.s32 $0xFFFF8000  }
0x4b: {  	[tilespmem:s22], [sflag:$0x5] =	stream.indirect.gather.add.f32 [hbm:s4], $0x40, s8, s13, $0xb8;
	[tilespmem:$0x11800] =	vst v63  }
0x4c: {  	s9 =	sadd.s32 $0x680, s20  }
0x4d: {  	[tilespmem:s23], [sflag:$0x5] =	stream.indirect.gather.add.f32 [hbm:s4], $0x40, s9, s13, $0xb8;
	[tilespmem:$0x11800] =	vst v63  }
0x4e: {  	s10 =	sadd.s32 $0x700, s20  }
0x4f: {  	[tilespmem:s24], [sflag:$0x5] =	stream.indirect.gather.add.f32 [hbm:s4], $0x40, s10, s13, $0xb8;
	[tilespmem:$0x11800] =	vst v63  }
0x50: {  	s11 =	sadd.s32 $0x780, s20  }
0x51: {  	[tilespmem:s25], [sflag:$0x5] =	stream.indirect.gather.add.f32 [hbm:s4], $0x40, s11, s13, $0xb8;
	[tilespmem:$0x11800] =	vst v63  }
0x52: {  	s12 =	sadd.s32 $0xA00, s20  }
0x53: {  	[tilespmem:s22], [sflag:$0x5] =	stream.indirect.gather.add.f32 [hbm:s5], $0x40, s12, s13, $0xb8;
	[tilespmem:$0x11800] =	vst v63  }
0x54: {  	s16 =	sadd.s32 $0xA80, s20  }
0x55: {  	[tilespmem:s23], [sflag:$0x5] =	stream.indirect.gather.add.f32 [hbm:s5], $0x40, s16, s13, $0xb8;
	[tilespmem:$0x11800] =	vst v63  }
0x56: {  	p0 =	por $0x0, $0x0;
	s18 =	sadd.s32 $0xB00, s20  }
0x57: {  	[tilespmem:s24], [sflag:$0x5] =	stream.indirect.gather.add.f32 [hbm:s5], $0x40, s18, s13, $0xb8;
	[tilespmem:$0x11800] =	vst v63  }
0x58: {  	s31 =	sadd.s32 $0xB80, s20;
	s7 =	simm.s32 @!p0 $0x1  }
0x59: {  	[tilespmem:s25], [sflag:$0x5] =	stream.indirect.gather.add.f32 [hbm:s5], $0x40, s31, s13, $0xb8;
	[tilespmem:$0x11800] =	vst v63  }
0x5a: {  	_ =	swait.ge @!p0 [sflag:s7], $0xC00  }
0x5b: {  	s0 =	sxor.u32 $0x1, s0;
	[sflag:s7] =	ssyncset.done @!p0 $0x0  }
0x5c: {  	s0 =	smul.u32 @!p0 $0x3000, s0;
	s6 =	simm.s32 @!p0 $0x6;
	[sflag:s7] =	ssyncadd.s32 @!p0 $0xFFFFF400  }
0x5d: {  	_ =	swait.ge @!p0 [sflag:s6], $0x8000  }
0x5e: {  	s0 =	sshrl.u32 @!p0 s0, $0x2;
	[sflag:s6] =	ssyncset.done @!p0 $0x0  }
0x5f: {  	s9 =	simm.s32 @!p0 $0x1800;
	s7 =	simm.s32 @!p0 $0x80;
	[sflag:s6] =	ssyncadd.s32 @!p0 $0xFFFF8000  }
0x60: {  	[tilespmem:s9], [sflag:$0x2] =	stream.indirect.gather @!p0 [hbm4b:s3+s7], $0x40, s0, s7, $0xb8;
	[tilespmem:$0x11800] =	vst v63  }
0x61: {  	s6 =	simm.s32 @!p0 $0x3800;
	s9 =	sor.u32 @!p0 $0x80, s0  }
0x62: {  	[tilespmem:s6], [sflag:$0x2] =	stream.indirect.gather @!p0 [hbm4b:s3+s7], $0x40, s9, s7, $0xb8;
	[tilespmem:$0x11800] =	vst v63  }
0x63: {  	s6 =	sor.u32 @!p0 $0x100, s0;
	s9 =	simm.s32 @!p0 $0x5800  }
0x64: {  	[tilespmem:s9], [sflag:$0x2] =	stream.indirect.gather @!p0 [hbm4b:s3+s7], $0x40, s6, s7, $0xb8;
	[tilespmem:$0x11800] =	vst v63  }
0x65: {  	s0 =	sor.u32 @!p0 $0x180, s0;
	s6 =	simm.s32 @!p0 $0x7800  }
0x66: {  	[tilespmem:s6], [sflag:$0x2] =	stream.indirect.gather @!p0 [hbm4b:s3+s7], $0x40, s0, s7, $0xb8;
	[tilespmem:$0x11800] =	vst v63  }
0x67: {  	p2 =	por $0x0, $0x0;
	_ =	swait.ge [sflag:s29], $0x8000  }
0x68: {  	s30 =	simm.s32 @!p2 $0x400;
	[sflag:s29] =	ssyncset.done $0x0  }
0x69: {  	s10 =	simm.s32 $0x0;
	s16 =	simm.s32 $0x2000;
	[sflag:s29] =	ssyncadd.s32 $0xFFFF8000  }
0x6a: {  	s18 =	simm.s32 $0x1;
	s6 =	simm.s32 $0x4000;
	_ =	swait.ge [sflag:s29], $0x8000  }
0x6b: {  	s7 =	simm.s32 $0x2;
	s9 =	rddreg [dreg:$0x8];
	[sflag:s29] =	ssyncset.done $0x0  }
0x6c: {  	s12 =	rddreg [dreg:$0x4];
	s0 =	sadd.s32 $0x80, s9;
	[sflag:s29] =	ssyncadd.s32 $0xFFFF8000  }
.LBB2_2:
0x6d: {  	s31 =	sand.u32 $0x1, s18;
	s10 =	sadd.s32 s10, s12  }
0x6e: {  	[hbm4b:s10+s15] =	stream.linear.scatter [tilespmem:s22], [sflag:$0x7], $0x8000, $0x38;
	[tilespmem:$0x11800] =	vst v63  }
0x6f: {  	s8 =	simm.s32 @!p2 $0xC8000;
	s2 =	sxor.u32 $0x1, s31;
	s31 =	smul.u32 $0x3000, s31  }
0x70: {  	[tilespmem:s20], [sflag:$0x1] =	stream.strided.gather @!p2 [hbm4b:s9+s30], $0xC00, s8, s30, $0x38;
	[tilespmem:$0x11800] =	vst v63  }
0x71: {  	s31 =	sshrl.u32 s31, $0x2;
	_ =	swait.ge [sflag:s21], $0x8000  }
0x72: {  	s20 =	smov.u32 s31;
	[sflag:s21] =	ssyncset.done $0x0  }
0x73: {  	p0 =	seq.s32 s16, $0x30000;
	s8 =	sadd.s32 $0x400, s20;
	[sflag:s21] =	ssyncadd.s32 $0xFFFF8000  }
0x74: {  	[tilespmem:s14], [sflag:$0x4] =	stream.indirect.gather.add.f32 [hbm:s4], $0x40, s8, s13, $0xb8;
	[tilespmem:$0x11800] =	vst v63  }
0x75: {  	s12 =	smul.u32 @!p0 $0x3000, s2;
	s2 =	simm.s32 $0x3800;
	s31 =	sadd.s32 $0x480, s20  }
0x76: {  	[tilespmem:s2], [sflag:$0x4] =	stream.indirect.gather.add.f32 [hbm:s4], $0x40, s31, s13, $0xb8;
	[tilespmem:$0x11800] =	vst v63  }
0x77: {  	s8 =	sadd.s32 $0x500, s20  }
0x78: {  	[tilespmem:s17], [sflag:$0x4] =	stream.indirect.gather.add.f32 [hbm:s4], $0x40, s8, s13, $0xb8;
	[tilespmem:$0x11800] =	vst v63  }
0x79: {  	s31 =	sadd.s32 $0x580, s20  }
0x7a: {  	[tilespmem:s19], [sflag:$0x4] =	stream.indirect.gather.add.f32 [hbm:s4], $0x40, s31, s13, $0xb8;
	[tilespmem:$0x11800] =	vst v63  }
0x7b: {  	s8 =	sadd.s32 $0x800, s20  }
0x7c: {  	[tilespmem:s14], [sflag:$0x4] =	stream.indirect.gather.add.f32 [hbm:s5], $0x40, s8, s13, $0xb8;
	[tilespmem:$0x11800] =	vst v63  }
0x7d: {  	s10 =	smov.u32 s16;
	s31 =	sadd.s32 $0x880, s20  }
0x7e: {  	[tilespmem:s2], [sflag:$0x4] =	stream.indirect.gather.add.f32 [hbm:s5], $0x40, s31, s13, $0xb8;
	[tilespmem:$0x11800] =	vst v63  }
0x7f: {  	p2 =	seq.s32 s10, $0x0;
	s2 =	sadd.s32 $0x900, s20  }
0x80: {  	[tilespmem:s17], [sflag:$0x4] =	stream.indirect.gather.add.f32 [hbm:s5], $0x40, s2, s13, $0xb8;
	[tilespmem:$0x11800] =	vst v63  }
0x81: {  	s8 =	sadd.s32 $0x980, s20;
	s2 =	simm.s32 @!p2 $0x7  }
0x82: {  	[tilespmem:s19], [sflag:$0x4] =	stream.indirect.gather.add.f32 [hbm:s5], $0x40, s8, s13, $0xb8;
	[tilespmem:$0x11800] =	vst v63  }
0x83: {  	_ =	swait.ge @!p2 [sflag:s2], $0x8000  }
0x84: {  	[sflag:s2] =	ssyncset.done @!p2 $0x0  }
0x85: {  	s31 =	sadd.s32 $0x200, s20;
	[sflag:s2] =	ssyncadd.s32 @!p2 $0xFFFF8000  }
0x86: {  	[tilespmem:s22], [sflag:$0x3] =	stream.indirect.gather [hbm4b:s3+s13], $0x40, s31, s13, $0xb8;
	[tilespmem:$0x11800] =	vst v63  }
0x87: {  	s2 =	sadd.s32 $0x280, s20  }
0x88: {  	[tilespmem:s23], [sflag:$0x3] =	stream.indirect.gather [hbm4b:s3+s13], $0x40, s2, s13, $0xb8;
	[tilespmem:$0x11800] =	vst v63  }
0x89: {  	s8 =	sadd.s32 $0x300, s20  }
0x8a: {  	[tilespmem:s24], [sflag:$0x3] =	stream.indirect.gather [hbm4b:s3+s13], $0x40, s8, s13, $0xb8;
	[tilespmem:$0x11800] =	vst v63  }
0x8b: {  	s31 =	sadd.s32 $0x380, s20  }
0x8c: {  	[tilespmem:s25], [sflag:$0x3] =	stream.indirect.gather [hbm4b:s3+s13], $0x40, s31, s13, $0xb8;
	[tilespmem:$0x11800] =	vst v63  }
0x8d: {  	_ =	swait.ge [sflag:s26], $0x8000  }
0x8e: {  	[sflag:s26] =	ssyncset.done $0x0  }
0x8f: {  	[sflag:s26] =	ssyncadd.s32 $0xFFFF8000  }
0x90: {  	_ =	swait.ge [sflag:s26], $0x8000  }
0x91: {  	s1 =	smov.u32 s6;
	s2 =	rddreg [dreg:$0x3];
	[sflag:s26] =	ssyncset.done $0x0  }
0x92: {  	s16 =	smov.u32 s1;
	[sflag:s26] =	ssyncadd.s32 $0xFFFF8000;
	s1 =	sadd.s32 s10, s2  }
0x93: {  	[hbm4b:s1+s15] =	stream.linear.scatter [tilespmem:s14], [sflag:$0x6], $0x8000, $0x38;
	[tilespmem:$0x11800] =	vst v63  }
0x94: {  	_ =	swait.ge [sflag:s28], $0x8000  }
0x95: {  	[sflag:s28] =	ssyncset.done $0x0  }
0x96: {  	s8 =	sadd.s32 $0x600, s20;
	[sflag:s28] =	ssyncadd.s32 $0xFFFF8000  }
0x97: {  	[tilespmem:s22], [sflag:$0x5] =	stream.indirect.gather.add.f32 [hbm:s4], $0x40, s8, s13, $0xb8;
	[tilespmem:$0x11800] =	vst v63  }
0x98: {  	s31 =	sadd.s32 $0x680, s20  }
0x99: {  	[tilespmem:s23], [sflag:$0x5] =	stream.indirect.gather.add.f32 [hbm:s4], $0x40, s31, s13, $0xb8;
	[tilespmem:$0x11800] =	vst v63  }
0x9a: {  	s2 =	sadd.s32 $0x700, s20  }
0x9b: {  	[tilespmem:s24], [sflag:$0x5] =	stream.indirect.gather.add.f32 [hbm:s4], $0x40, s2, s13, $0xb8;
	[tilespmem:$0x11800] =	vst v63  }
0x9c: {  	s8 =	sadd.s32 $0x780, s20  }
0x9d: {  	[tilespmem:s25], [sflag:$0x5] =	stream.indirect.gather.add.f32 [hbm:s4], $0x40, s8, s13, $0xb8;
	[tilespmem:$0x11800] =	vst v63  }
0x9e: {  	s31 =	sadd.s32 $0xA00, s20  }
0x9f: {  	[tilespmem:s22], [sflag:$0x5] =	stream.indirect.gather.add.f32 [hbm:s5], $0x40, s31, s13, $0xb8;
	[tilespmem:$0x11800] =	vst v63  }
0xa0: {  	s2 =	sadd.s32 $0xA80, s20  }
0xa1: {  	[tilespmem:s23], [sflag:$0x5] =	stream.indirect.gather.add.f32 [hbm:s5], $0x40, s2, s13, $0xb8;
	[tilespmem:$0x11800] =	vst v63  }
0xa2: {  	s8 =	sadd.s32 $0xB00, s20  }
0xa3: {  	[tilespmem:s24], [sflag:$0x5] =	stream.indirect.gather.add.f32 [hbm:s5], $0x40, s8, s13, $0xb8;
	[tilespmem:$0x11800] =	vst v63  }
0xa4: {  	s31 =	sadd.s32 $0xB80, s20;
	s2 =	simm.s32 @!p0 $0x1  }
0xa5: {  	[tilespmem:s25], [sflag:$0x5] =	stream.indirect.gather.add.f32 [hbm:s5], $0x40, s31, s13, $0xb8;
	[tilespmem:$0x11800] =	vst v63  }
0xa6: {  	_ =	swait.ge @!p0 [sflag:s2], $0xC00  }
0xa7: {  	[sflag:s2] =	ssyncset.done @!p0 $0x0  }
0xa8: {  	s1 =	simm.s32 @!p0 $0x6;
	[sflag:s2] =	ssyncadd.s32 @!p0 $0xFFFFF400  }
0xa9: {  	_ =	swait.ge @!p0 [sflag:s1], $0x8000  }
0xaa: {  	s30 =	simm.s32 @!p0 $0x1800;
	[sflag:s1] =	ssyncset.done @!p0 $0x0  }
0xab: {  	s8 =	simm.s32 @!p0 $0x80;
	[sflag:s1] =	ssyncadd.s32 @!p0 $0xFFFF8000;
	s1 =	sshrl.u32 @!p0 s12, $0x2  }
0xac: {  	[tilespmem:s30], [sflag:$0x2] =	stream.indirect.gather @!p0 [hbm4b:s3+s8], $0x40, s1, s8, $0xb8;
	[tilespmem:$0x11800] =	vst v63  }
0xad: {  	s2 =	simm.s32 @!p0 $0x3800;
	s12 =	sor.u32 @!p0 $0x80, s1  }
0xae: {  	[tilespmem:s2], [sflag:$0x2] =	stream.indirect.gather @!p0 [hbm4b:s3+s8], $0x40, s12, s8, $0xb8;
	[tilespmem:$0x11800] =	vst v63  }
0xaf: {  	s2 =	sor.u32 @!p0 $0x100, s1;
	s12 =	simm.s32 @!p0 $0x5800  }
0xb0: {  	[tilespmem:s12], [sflag:$0x2] =	stream.indirect.gather @!p0 [hbm4b:s3+s8], $0x40, s2, s8, $0xb8;
	[tilespmem:$0x11800] =	vst v63  }
0xb1: {  	s6 =	sadd.s32 $0x2000, s6;
	s1 =	sor.u32 @!p0 $0x180, s1;
	s2 =	simm.s32 @!p0 $0x7800  }
0xb2: {  	[tilespmem:s2], [sflag:$0x2] =	stream.indirect.gather @!p0 [hbm4b:s3+s8], $0x40, s1, s8, $0xb8;
	[tilespmem:$0x11800] =	vst v63  }
0xb3: {  	p1 =	sne.s32 s6, $0x32000;
	_ =	swait.ge [sflag:s29], $0x8000  }
.Ltmp0:
0xb4: {  	[sflag:s29] =	ssyncset.done $0x0;
	(pc) =	sbr.rel @p1 .LBB2_2-.Ltmp0, $4  }
0xb5: {  	s11 =	smov.u32 s18;
	s18 =	smov.u32 s7;
	[sflag:s29] =	ssyncadd.s32 $0xFFFF8000  }
0xb6: {  	s7 =	sadd.s32 $0x1, s7;
	s9 =	smov.u32 s0;
	_ =	swait.ge [sflag:s29], $0x8000  }
0xb7: {  	s0 =	sadd.s32 $0x80, s0;
	p2 =	sgt.u32 s11, $0x16;
	[sflag:s29] =	ssyncset.done $0x0  }
0xb8: {  	s30 =	simm.s32 @!p2 $0x400;
	s12 =	rddreg [dreg:$0x4];
	[sflag:s29] =	ssyncadd.s32 $0xFFFF8000  }
0xb9: {  	s1 =	sadd.s32 s10, s12;
	s10 =	simm.s32 $0x0  }
0xba: {  	[hbm4b:s1+s10] =	stream.linear.scatter [tilespmem:s22], [sflag:$0x7], $0x8000, $0x38;
	[tilespmem:$0x11800] =	vst v63  }
0xbb: {  	s7 =	sand.u32 $0x1, s18;
	s1 =	simm.s32 @!p2 $0xC8000  }
0xbc: {  	[tilespmem:s20], [sflag:$0x1] =	stream.strided.gather @!p2 [hbm4b:s9+s30], $0xC00, s1, s30, $0x38;
	[tilespmem:$0x11800] =	vst v63  }
0xbd: {  	s30 =	smul.u32 $0x3000, s7  }
0xbe: {  	_ =	swait.ge [sflag:s21], $0x8000  }
0xbf: {  	s6 =	sshrl.u32 s30, $0x2;
	[sflag:s21] =	ssyncset.done $0x0  }
0xc0: {  	[sflag:s21] =	ssyncadd.s32 $0xFFFF8000;
	s1 =	sadd.s32 $0x400, s6  }
0xc1: {  	[tilespmem:s14], [sflag:$0x4] =	stream.indirect.gather.add.f32 [hbm:s4], $0x40, s1, s13, $0xb8;
	[tilespmem:$0x11800] =	vst v63  }
0xc2: {  	s2 =	simm.s32 $0x3800;
	s31 =	sadd.s32 $0x480, s6  }
0xc3: {  	[tilespmem:s2], [sflag:$0x4] =	stream.indirect.gather.add.f32 [hbm:s4], $0x40, s31, s13, $0xb8;
	[tilespmem:$0x11800] =	vst v63  }
0xc4: {  	s8 =	sadd.s32 $0x500, s6  }
0xc5: {  	[tilespmem:s17], [sflag:$0x4] =	stream.indirect.gather.add.f32 [hbm:s4], $0x40, s8, s13, $0xb8;
	[tilespmem:$0x11800] =	vst v63  }
0xc6: {  	s9 =	sadd.s32 $0x580, s6  }
0xc7: {  	[tilespmem:s19], [sflag:$0x4] =	stream.indirect.gather.add.f32 [hbm:s4], $0x40, s9, s13, $0xb8;
	[tilespmem:$0x11800] =	vst v63  }
0xc8: {  	s11 =	sadd.s32 $0x800, s6  }
0xc9: {  	[tilespmem:s14], [sflag:$0x4] =	stream.indirect.gather.add.f32 [hbm:s5], $0x40, s11, s13, $0xb8;
	[tilespmem:$0x11800] =	vst v63  }
0xca: {  	s12 =	sadd.s32 $0x880, s6  }
0xcb: {  	[tilespmem:s2], [sflag:$0x4] =	stream.indirect.gather.add.f32 [hbm:s5], $0x40, s12, s13, $0xb8;
	[tilespmem:$0x11800] =	vst v63  }
0xcc: {  	p0 =	seq.s32 s16, $0x0;
	s20 =	sadd.s32 $0x900, s6  }
0xcd: {  	[tilespmem:s17], [sflag:$0x4] =	stream.indirect.gather.add.f32 [hbm:s5], $0x40, s20, s13, $0xb8;
	[tilespmem:$0x11800] =	vst v63  }
0xce: {  	s30 =	sadd.s32 $0x980, s6;
	s2 =	simm.s32 @!p0 $0x7  }
0xcf: {  	[tilespmem:s19], [sflag:$0x4] =	stream.indirect.gather.add.f32 [hbm:s5], $0x40, s30, s13, $0xb8;
	[tilespmem:$0x11800] =	vst v63  }
0xd0: {  	_ =	swait.ge @!p0 [sflag:s2], $0x8000  }
0xd1: {  	[sflag:s2] =	ssyncset.done @!p0 $0x0  }
0xd2: {  	s31 =	sadd.s32 $0x200, s6;
	[sflag:s2] =	ssyncadd.s32 @!p0 $0xFFFF8000  }
0xd3: {  	[tilespmem:s22], [sflag:$0x3] =	stream.indirect.gather [hbm4b:s3+s13], $0x40, s31, s13, $0xb8;
	[tilespmem:$0x11800] =	vst v63  }
0xd4: {  	s2 =	sadd.s32 $0x280, s6  }
0xd5: {  	[tilespmem:s23], [sflag:$0x3] =	stream.indirect.gather [hbm4b:s3+s13], $0x40, s2, s13, $0xb8;
	[tilespmem:$0x11800] =	vst v63  }
0xd6: {  	s8 =	sadd.s32 $0x300, s6  }
0xd7: {  	[tilespmem:s24], [sflag:$0x3] =	stream.indirect.gather [hbm4b:s3+s13], $0x40, s8, s13, $0xb8;
	[tilespmem:$0x11800] =	vst v63  }
0xd8: {  	s9 =	sadd.s32 $0x380, s6  }
0xd9: {  	[tilespmem:s25], [sflag:$0x3] =	stream.indirect.gather [hbm4b:s3+s13], $0x40, s9, s13, $0xb8;
	[tilespmem:$0x11800] =	vst v63  }
0xda: {  	_ =	swait.ge [sflag:s26], $0x8000  }
0xdb: {  	[sflag:s26] =	ssyncset.done $0x0  }
0xdc: {  	[sflag:s26] =	ssyncadd.s32 $0xFFFF8000  }
0xdd: {  	_ =	swait.ge [sflag:s26], $0x8000  }
0xde: {  	s11 =	rddreg [dreg:$0x3];
	[sflag:s26] =	ssyncset.done $0x0  }
0xdf: {  	[sflag:s26] =	ssyncadd.s32 $0xFFFF8000;
	s1 =	sadd.s32 s16, s11  }
0xe0: {  	[hbm4b:s1+s10] =	stream.linear.scatter [tilespmem:s14], [sflag:$0x6], $0x8000, $0x38;
	[tilespmem:$0x11800] =	vst v63  }
0xe1: {  	_ =	swait.ge [sflag:s28], $0x8000  }
0xe2: {  	[sflag:s28] =	ssyncset.done $0x0  }
0xe3: {  	s12 =	sadd.s32 $0x600, s6;
	[sflag:s28] =	ssyncadd.s32 $0xFFFF8000  }
0xe4: {  	[tilespmem:s22], [sflag:$0x5] =	stream.indirect.gather.add.f32 [hbm:s4], $0x40, s12, s13, $0xb8;
	[tilespmem:$0x11800] =	vst v63  }
0xe5: {  	s20 =	sadd.s32 $0x680, s6  }
0xe6: {  	[tilespmem:s23], [sflag:$0x5] =	stream.indirect.gather.add.f32 [hbm:s4], $0x40, s20, s13, $0xb8;
	[tilespmem:$0x11800] =	vst v63  }
0xe7: {  	s30 =	sadd.s32 $0x700, s6  }
0xe8: {  	[tilespmem:s24], [sflag:$0x5] =	stream.indirect.gather.add.f32 [hbm:s4], $0x40, s30, s13, $0xb8;
	[tilespmem:$0x11800] =	vst v63  }
0xe9: {  	s31 =	sadd.s32 $0x780, s6  }
0xea: {  	[tilespmem:s25], [sflag:$0x5] =	stream.indirect.gather.add.f32 [hbm:s4], $0x40, s31, s13, $0xb8;
	[tilespmem:$0x11800] =	vst v63  }
0xeb: {  	s2 =	sadd.s32 $0xA00, s6  }
0xec: {  	[tilespmem:s22], [sflag:$0x5] =	stream.indirect.gather.add.f32 [hbm:s5], $0x40, s2, s13, $0xb8;
	[tilespmem:$0x11800] =	vst v63  }
0xed: {  	s8 =	sadd.s32 $0xA80, s6  }
0xee: {  	[tilespmem:s23], [sflag:$0x5] =	stream.indirect.gather.add.f32 [hbm:s5], $0x40, s8, s13, $0xb8;
	[tilespmem:$0x11800] =	vst v63  }
0xef: {  	p0 =	seq.s32 s16, $0x30000;
	s9 =	sadd.s32 $0xB00, s6  }
0xf0: {  	[tilespmem:s24], [sflag:$0x5] =	stream.indirect.gather.add.f32 [hbm:s5], $0x40, s9, s13, $0xb8;
	[tilespmem:$0x11800] =	vst v63  }
0xf1: {  	s11 =	sadd.s32 $0xB80, s6;
	s2 =	simm.s32 @!p0 $0x1  }
0xf2: {  	[tilespmem:s25], [sflag:$0x5] =	stream.indirect.gather.add.f32 [hbm:s5], $0x40, s11, s13, $0xb8;
	[tilespmem:$0x11800] =	vst v63  }
0xf3: {  	_ =	swait.ge @!p0 [sflag:s2], $0xC00  }
0xf4: {  	s1 =	sxor.u32 $0x1, s7;
	[sflag:s2] =	ssyncset.done @!p0 $0x0  }
0xf5: {  	s7 =	simm.s32 @!p0 $0x6;
	s1 =	smul.u32 @!p0 $0x3000, s1;
	[sflag:s2] =	ssyncadd.s32 @!p0 $0xFFFFF400  }
0xf6: {  	_ =	swait.ge @!p0 [sflag:s7], $0x8000  }
0xf7: {  	s1 =	sshrl.u32 @!p0 s1, $0x2;
	[sflag:s7] =	ssyncset.done @!p0 $0x0  }
0xf8: {  	s8 =	simm.s32 @!p0 $0x1800;
	s2 =	simm.s32 @!p0 $0x80;
	[sflag:s7] =	ssyncadd.s32 @!p0 $0xFFFF8000  }
0xf9: {  	[tilespmem:s8], [sflag:$0x2] =	stream.indirect.gather @!p0 [hbm4b:s3+s2], $0x40, s1, s2, $0xb8;
	[tilespmem:$0x11800] =	vst v63  }
0xfa: {  	s7 =	simm.s32 @!p0 $0x3800;
	s8 =	sor.u32 @!p0 $0x80, s1  }
0xfb: {  	[tilespmem:s7], [sflag:$0x2] =	stream.indirect.gather @!p0 [hbm4b:s3+s2], $0x40, s8, s2, $0xb8;
	[tilespmem:$0x11800] =	vst v63  }
0xfc: {  	s7 =	sor.u32 @!p0 $0x100, s1;
	s8 =	simm.s32 @!p0 $0x5800  }
0xfd: {  	[tilespmem:s8], [sflag:$0x2] =	stream.indirect.gather @!p0 [hbm4b:s3+s2], $0x40, s7, s2, $0xb8;
	[tilespmem:$0x11800] =	vst v63  }
0xfe: {  	s1 =	sor.u32 @!p0 $0x180, s1;
	s7 =	simm.s32 @!p0 $0x7800  }
0xff: {  	[tilespmem:s7], [sflag:$0x2] =	stream.indirect.gather @!p0 [hbm4b:s3+s2], $0x40, s1, s2, $0xb8;
	[tilespmem:$0x11800] =	vst v63  }
0x100: {  	_ =	swait.ge [sflag:s29], $0x8000  }
0x101: {  	[sflag:s29] =	ssyncset.done $0x0  }
0x102: {  	[sflag:s29] =	ssyncadd.s32 $0xFFFF8000  }
0x103: {  	_ =	swait.ge [sflag:s29], $0x8000  }
0x104: {  	s12 =	rddreg [dreg:$0x4];
	[sflag:s29] =	ssyncset.done $0x0  }
0x105: {  	p0 =	sgt.u32 s18, $0x16;
	[sflag:s29] =	ssyncadd.s32 $0xFFFF8000;
	s1 =	sadd.s32 s16, s12  }
0x106: {  	[hbm4b:s1+s10] =	stream.linear.scatter [tilespmem:s22], [sflag:$0x7], $0x8000, $0x38;
	[tilespmem:$0x11800] =	vst v63  }
0x107: {  	s18 =	simm.s32 $0x6;
	s2 =	simm.s32 @!p0 $0xC8000;
	s1 =	simm.s32 @!p0 $0x400  }
0x108: {  	[tilespmem:s6], [sflag:$0x1] =	stream.strided.gather @!p0 [hbm4b:s0+s1], $0xC00, s2, s1, $0x38;
	[tilespmem:$0x11800] =	vst v63  }
0x109: {  	_ =	swait.ge [sflag:s18], $0x8000  }
0x10a: {  	[sflag:s18] =	ssyncset.done $0x0  }
0x10b: {  	s20 =	simm.s32 $0x7;
	[sflag:s18] =	ssyncadd.s32 $0xFFFF8000  }
0x10c: {  	_ =	swait.ge [sflag:s20], $0x8000  }
0x10d: {  	s30 =	rddreg [dreg:$0x9]  }
0x10e: {  	s31 =	rddreg [dreg:$0x7];
	s2 =	sadd.s32 $0x1, s30  }
0x10f: {  	p0 =	sne.s32 s2, s31  }
.Ltmp1:
0x110: {  	_ = 	snop;
	(pc) =	sbr.rel @p0 .LBB2_1-.Ltmp1, $3  }
0x111: {  	_ =	sdelay $0x1  }
0x112: {  	[sflag:s20] =	ssyncset.done $0x0  }
0x113: {  	[sflag:s20] =	ssyncadd.s32 $0xFFFF8000  }
0x114: {  	_ =	sfence.sel $0x180000  }
0x115: {  	[bflag:$0x0] =	sbarrier.arrive $0xFFFF  }
0x116: {  	_ =	strace $0x90000047  }
0x117: {  	s0 =	stileid.u32;
	[bflag:$0x2] =	sbarrier.arrive $0xFFFF  }
0x118: {  	p0 =	sne.s32 s0, $0x0;
	s0 =	rddreg [dreg:$0x2]  }
0x119: {  	s0 =	sadd.s32 @!p0 $0x100000, s0  }
0x11a: {  	[sflag:s0] =	ssyncadd.tile.s32 @!p0 $0x1;
	_ =	shalt  }
.Lfunc_end2:
_tile_overlayer_lowered:
.L_overlay_start_2:
0x11b: {  	(tag) =	ssettag $0x2  }
0x11c: {  	s0 =	rddreg [dreg:$0x0];
	s2 =	stileid.u32  }
0x11d: {  	s1 =	rddreg [dreg:$0x1];
	p0 =	sne.s32 s2, $0x0  }
0x11e: {  	s3 =	rddreg [dreg:$0x2];
	[bflag:$0x3] =	sbarrier.arrive $0xFFFF;
	s2 =	simm.s32 @!p0 $0x1C08  }
0x11f: {  	[timem:s3], [sflag:s2] =	dma.local @!p0 [hbm:s0], s1  }
0x120: {  	s0 =	simm.s32 @!p0 $0x8  }
0x121: {  	_ =	swait.ge @!p0 [sflag:s0], s1  }
0x122: {  	s1 =	ssub.s32 @!p0 $0x0, s1;
	[sflag:s0] =	ssyncset.done @!p0 $0x0  }
0x123: {  	[sflag:s0] =	ssyncadd.s32 @!p0 s1  }
0x124: {  	[bflag:$0x3] =	sbarrier.arrive $0xFFFF  }
0x125: {  	_ =	shalt  }

// kernel: sparse-core-data-format-call.cloned.1.call-start
scs
called_computation_lowered:
.L_overlay_start_0:
0x0: {  	s2 =	sld [smem:$0x3FD9]  }
0x1: {  	s3 =	sld [smem:$0x3FFE];
	_ =	sdelay $0x1  }
0x2: {  	s1 =	srdreg.scid  }
0x3: {  	s0 =	sand.u32 $0x1, s1  }
0x4: {  	s18 =	sshll.u32 s0, $0xA;
	s2 =	sadd.s32 s3, s2  }
0x5: {  	s2 =	sadd.s32 s2, s18  }
0x6: {  	[smem:$0x3FB9] =	sst s2  }
0x7: {  	_ = 	snop  }
0x8: {  	s2 =	sld [smem:$0x3FD0];
	(tm) =	ssettm $0x1  }
0x9: {  	s19 =	sld [smem:$0x3FFB];
	_ =	sdelay $0x3  }
0xa: {  	_ =	strace s19  }
0xb: {  	s3 =	sld [smem:$0x3FFC];
	_ =	sdelay $0x3  }
0xc: {  	_ =	strace s3  }
0xd: {  	s3 =	sld [smem:$0x3FFD];
	_ =	sdelay $0x3  }
0xe: {  	_ =	strace s3  }
0xf: {  	_ =	strace $0x8FFFFFFF  }
0x10: {  	s20 =	sld [smem:$0x3FDB];
	_ =	sdelay $0x1  }
0x11: {  	s4 =	simm.s32 $_scs_section_size  }
0x12: {  	s5 =	simm.s32 $_size__tile_overlayer_lowered;
	s6 =	simm.s32 $_tile_overlayer_lowered  }
0x13: {  	s23 =	simm.s32 $0x1BFF;
	s22 =	sshll.u32 s6, $0x1;
	s3 =	sadd.s32 s4, s20  }
0x14: {  	s7 =	simm.s32 $0x0;
	s21 =	sshll.u32 s5, $0x1;
	s5 =	sadd.s32 s22, s3  }
0x15: {  	[timem:s7], [sflag:s23] =	dma.local [hbm:s5], s21  }
0x16: {  	_ =	swait.ge [sflag:s23], s21  }
0x17: {  	s4 =	ssub.s32 $0x0, s21;
	[sflag:s23] =	ssyncset.done $0x0  }
0x18: {  	[sflag:s23] =	ssyncadd.s32 s4;
	_ =	sdelay $0x1  }
0x19: {  	s24 =	simm.s32 $0x1B8B  }
0x1a: {  	_ =	swait.ge [sflag:s24], $0x1  }
0x1b: {  	[sflag:s24] =	ssyncset.done $0x0  }
0x1c: {  	s26 =	simm.s32 $0x1B8E;
	s25 =	sld [smem:$0x3FFE];
	[sflag:s24] =	ssyncadd.s32 $0xFFFFFFFF  }
0x1d: {  	s27 =	simm.s32 $execute0_lowered;
	[smem:$0x3FD2] =	sst s26  }
0x1e: {  	s5 =	sshll.u32 s27, $0x1;
	_ =	strace $0x80000049;
	[dreg:$0x1] =	wrdreg $0xFFFFFFFF  }
0x1f: {  	s28 =	simm.s32 $_size_execute0_lowered;
	s3 =	sadd.s32 s3, s5;
	[dreg:$0x0] =	wrdreg $0x0  }
0x20: {  	s5 =	sshll.u32 s28, $0x1;
	[dreg:$0x2] =	wrdreg s3  }
0x21: {  	[dreg:$0x3] =	wrdreg s5  }
0x22: {  	[dreg:$0x4] =	wrdreg $0xC0  }
0x23: {  	_ =	task [dreg:s7], $0x5FFFF  }
0x24: {  	[dreg:$0x1] =	wrdreg $0xFFFFFFFF  }
0x25: {  	[dreg:$0x0] =	wrdreg $0x60  }
0x26: {  	[dreg:$0x2] =	wrdreg s25  }
0x27: {  	[dreg:$0x3] =	wrdreg s2  }
0x28: {  	[dreg:$0x4] =	wrdreg $0x9  }
0x29: {  	_ =	task.clear_ibuf [dreg:s7], $0x5FFFF;
	_ =	strace $0x90000049  }
0x2a: {  	s29 =	simm.s32 $0x9;
	_ =	strace $0x8000004B  }
0x2b: {  	_ =	swait.ge [sflag:s29], $0x1  }
0x2c: {  	[sflag:s29] =	ssyncadd.s32 $0xFFFFFFFF  }
0x2d: {  	_ =	strace $0x9000004B  }
0x2e: {  	_ =	sfence  }
0x2f: {  	s30 =	sld [smem:$0x0];
	_ =	sdelay $0x2  }
0x30: {  	s31 =	sshll.u32 s1, $0xD;
	s1 =	sshrl.u32 s1, $0x2  }
0x31: {  	s3 =	sand.u32 $0x4000, s31;
	s1 =	sadd.s32 s1, s30  }
0x32: {  	s0 =	sor.u32 s3, s0;
	s1 =	sshll.u32 s1, $0x11  }
0x33: {  	s0 =	sor.u32 s1, s0  }
0x34: {  	s0 =	sadd.s32 $0x8F2B, s0  }
0x35: {  	[sflag:s0] =	ssyncadd.remote.s32 $0x1  }
0x36: {  	_ =	sfence.sel $0xFFFF  }
0x37: {  	[dreg:$0x0] =	wrdreg $0xFFFFFFFF;
	(pc) =	sbr.abs _section_cstart, $3  }
0x38: {  	[dreg:$0x1] =	wrdreg $0xFFFFFFFF  }
0x39: {  	_ =	task.clear_ibuf [dreg:s7], $0x2FFFF;
	_ =	strace $0x9FFFFFFF  }
0x3a: {  	(tm) =	ssettm $0x7FFFFFFF  }
0x3b: {  	_ =	shalt  }
tec
execute0_lowered:
.L_overlay_start_1:
0x0: {  	(tag) =	ssettag $0x1  }
0x1: {  	s0 =	srdreg.scid  }
0x2: {  	s1 =	sshll.u32 s0, $0x4  }
0x3: {  	s0 =	stileid.u32;
	s1 =	sand.u32 $0x10, s1  }
0x4: {  	s1 =	sor.u32 s0, s1  }
0x5: {  	s6 =	rddreg [dreg:$0x0];
	s4 =	simm.s32 $0x1;
	s2 =	sshll.u32 s1, $0x7  }
0x6: {  	s7 =	simm.s32 $0x2;
	s12 =	simm.s32 $0x0;
	s1 =	ssub.s32 $0x1000, s2  }
0x7: {  	s8 =	simm.s32 $0x8000;
	s13 =	simm.s32 $0x0;
	s3 =	sand.u32 $0xF80, s1  }
0x8: {  	s9 =	simm.s32 $0x0;
	s5 =	sshrl.u32 s1, $0xC;
	p0 =	sne.s32 s3, $0x0  }
.Ltmp0:
0x9: {  	s1 =	rddreg [dreg:$0x2];
	s4 =	simm.s32 @!p0 $0x0;
	(pc) =	sbr.rel .LBB1_1-.Ltmp0, $4  }
0xa: {  	s11 =	simm.s32 $0x0;
	s3 =	rddreg [dreg:$0x1];
	s5 =	sadd.s32 s4, s5  }
0xb: {  	_ =	strace $0x8000004A;
	s4 =	simm.s32 $0x1;
	s5 =	smul.u32 $0xC8, s5  }
0xc: {  	s6 =	sadd.s32 $0x1B1DE00, s6;
	s10 =	smov.u32 s2;
	[sflag:s4] =	ssyncpa.u1 $0x0  }
0xd: {  	p0 =	por $0x0, $0x0;
	[sflag:s7] =	ssyncpa.u1 $0x0;
	s7 =	sor.u32 $0x1, s5  }
.LBB1_4:
0xe: {  	s16 =	sshll.u32 s13, $0x3;
	s17 =	sand.u32 $0x78, s13  }
0xf: {  	s30 =	sand.u32 $0x7E00, s13;
	s12 =	sshll.u32 s12, $0xF;
	s16 =	sand.u32 $0xC00, s16  }
0x10: {  	[tilespmem:s15+$0x810 ss:$0x81] =	vst.msk $0xffff, v2;
	s31 =	sand.u32 $0x7, s13;
	s16 =	sor.u32 s17, s16;
	s17 =	sadd.s32 s3, s30  }
0x11: {  	[tilespmem:s15+$0x1020 ss:$0x81] =	vst.msk $0xffff, v0;
	s13 =	sshll.u32 s31, $0x12;
	s12 =	sadd.s32 s12, s17;
	s16 =	sshrl.u32 s16, $0x3  }
0x12: {  	[tilespmem:s15+$0x0 ss:$0x81] =	vst.msk $0xffff, v1;
	s13 =	sor.u32 $0x400, s13;
	s12 =	sadd.s32 s16, s12  }
0x13: {  	[hbm4b:s12+s13] =	stream.strided.scatter [tilespmem:s14], [sflag:$0x2], $0x2000, s8, s13, $0x20;
	[tilespmem:$0x8080] =	vst v63  }
.LBB1_5:
0x14: {  	s14 =	sadd.s32 $0x1, s9  }
0x15: {  	s12 =	sadd.s32 $0x1000, s10;
	s16 =	smov.u32 s10;
	p2 =	sgt.s32 s14, $0xC7  }
0x16: {  	s16 =	smov.u32 @p2 s12  }
0x17: {  	s14 =	simm.s32 @p2 $0x0;
	p2 =	sgt.s32 s16, $0xFFF  }
0x18: {  	s16 =	smov.u32 @p2 s2;
	p2 =	sne.s32 s11, s7  }
.Ltmp1:
0x19: {  	p1 =	slt.u32 s11, $0x2;
	(pc) =	sbr.rel @!p2 .LBB1_6-.Ltmp1, $4  }
0x1a: {  	s15 =	simm.s32 @!p1 $0x2  }
0x1b: {  	s13 =	smov.u32 s10;
	p0 =	por !p0, !p0;
	_ =	swait.ge @!p1 [sflag:s15], $0x2000  }
0x1c: {  	s12 =	smov.u32 s9;
	[sflag:s15] =	ssyncset.done @!p1 $0x0;
	s9 =	smov.u32 s14  }
0x1d: {  	s11 =	sadd.s32 $0x1, s11;
	[sflag:s15] =	ssyncadd.s32 @!p1 $0xFFFFE000;
	s10 =	smov.u32 s16  }
.LBB1_1:
0x1e: {  	p1 =	sge.u32 s11, s5  }
0x1f: {  	s14 =	sand.u32 @!p1 $0x1FFFFFF, s9  }
0x20: {  	s15 =	smulhi.u32 @!p1 $0x147AE15, s14;
	_ =	sdelay $0x1  }
0x21: {  	s15 =	smul.u32 @!p1 $0xC8, s15  }
0x22: {  	s16 =	sxor.u32 @!p1 $0xFFFFFFFF, s11;
	s17 =	smul.u32 @!p1 $0xC80, s10  }
0x23: {  	s31 =	sadd.s32 $0xFFFFFFFF, s11;
	s16 =	sshll.u32 @!p1 s16, $0xD;
	s14 =	ssub.s32 @!p1 s14, s15  }
0x24: {  	s15 =	sand.u32 @!p1 $0x2000, s16;
	s16 =	sadd.s32 @!p1 s6, s17;
	s14 =	sshll.u32 @!p1 s14, $0x4  }
0x25: {  	s17 =	simm.s32 @!p1 $0x6400;
	s14 =	sadd.s32 @!p1 s14, s16;
	s16 =	simm.s32 @!p1 $0x40  }
0x26: {  	[tilespmem:s15], [sflag:$0x1] =	stream.strided.gather @!p1 [hbm4b:s14+s16], $0x2000, s17, s16, $0x38;
	[tilespmem:$0x8080] =	vst v63  }
0x27: {  	p1 =	sge.u32 s31, s5  }
.Ltmp2:
0x28: {  	_ = 	snop;
	(pc) =	sbr.rel @p1 .LBB1_5-.Ltmp2, $1  }
0x29: {  	_ =	sdelay $0x3  }
0x2a: {  	s14 =	simm.s32 $0x1  }
0x2b: {  	_ =	swait.ge [sflag:s4], $0x2000;
	s14 =	simm.s32 @!p0 $0x0  }
0x2c: {  	[sflag:s4] =	ssyncset.done $0x0;
	s15 =	sshll.u32 s14, $0xD  }
0x2d: {  	[sflag:s4] =	ssyncadd.s32 $0xFFFFE000;
	s18 =	sor.u32 $0x20, s15  }
0x2e: {  	s14 =	smul.u32 $0x8100, s14;
	v3 =	vld [tilespmem:s18+$0x10]  }
0x2f: {  	s30 =	sand.u32 $0x1, s11;
	v2 =	vld [tilespmem:s18+$0xFFFFFFF0]  }
0x30: {  	s15 =	smul.u32 $0x8100, s30;
	s14 =	sshrl.u32 s14, $0x2;
	v0 =	vld [tilespmem:s18+$0x0]  }
0x31: {  	v1 =	vld [tilespmem:s18+$0xFFFFFFE0];
	s16 =	sor.u32 $0x4000, s14  }
0x32: {  	s31 =	sshrl.u32 s15, $0x2;
	s15 =	sadd.s32 $0x0, s16  }
0x33: {  	s17 =	simm.s32 $0x4;
	s18 =	sadd.s32 $0x40, s18;
	s14 =	sor.u32 $0x4000, s31;
	[tilespmem:s15+$0x1830 ss:$0x81] =	vst.msk $0xffff, v3  }
.LBB1_3:
0x34: {  	v3 =	vld [tilespmem:s18+$0x10];
	p1 =	sne.s32 s17, $0x1FC;
	[tilespmem:s15+$0x810 ss:$0x81] =	vst.msk $0xffff, v2;
	s19 =	smov.u32 s17;
	s17 =	sadd.s32 $0x4, s17  }
.Ltmp3:
0x35: {  	v2 =	vld [tilespmem:s18+$0xFFFFFFF0];
	[tilespmem:s15+$0x1020 ss:$0x81] =	vst.msk $0xffff, v0;
	(pc) =	sbr.rel @p1 .LBB1_3-.Ltmp3, $4  }
0x36: {  	v0 =	vld [tilespmem:s18+$0x0];
	[tilespmem:s15+$0x0 ss:$0x81] =	vst.msk $0xffff, v1  }
0x37: {  	s15 =	sshra.s32 s19, $0x2;
	v1 =	vld [tilespmem:s18+$0xFFFFFFE0]  }
0x38: {  	s15 =	sadd.s32 s15, s16  }
0x39: {  	s18 =	sadd.s32 $0x40, s18;
	[tilespmem:s15+$0x1830 ss:$0x81] =	vst.msk $0xffff, v3  }
.Ltmp4:
0x3a: {  	_ = 	snop;
	(pc) =	sbr.rel .LBB1_4-.Ltmp4, $1  }
0x3b: {  	_ =	sdelay $0x3  }
.LBB1_6:
0x3c: {  	_ =	sfence.sel $0x180000  }
0x3d: {  	s2 =	simm.s32 $0x1;
	[bflag:$0x0] =	sbarrier.arrive $0xFFFF  }
0x3e: {  	s31 =	simm.s32 $0x2;
	[sflag:s2] =	ssyncpa.u1 $0x1  }
0x3f: {  	[sflag:s31] =	ssyncpa.u1 $0x1  }
0x40: {  	p0 =	sne.s32 s0, $0x0;
	_ =	strace $0x9000004A  }
0x41: {  	s0 =	sadd.s32 @!p0 $0x100000, s1;
	[bflag:$0x2] =	sbarrier.arrive $0xFFFF  }
0x42: {  	[sflag:s0] =	ssyncadd.tile.s32 @!p0 $0x1;
	_ =	shalt  }
.Lfunc_end1:
_tile_overlayer_lowered:
.L_overlay_start_2:
0x43: {  	(tag) =	ssettag $0x2  }
0x44: {  	s0 =	rddreg [dreg:$0x0];
	s2 =	stileid.u32  }
0x45: {  	s1 =	rddreg [dreg:$0x1];
	p0 =	sne.s32 s2, $0x0  }
0x46: {  	s3 =	rddreg [dreg:$0x2];
	[bflag:$0x3] =	sbarrier.arrive $0xFFFF;
	s2 =	simm.s32 @!p0 $0x1C01  }
0x47: {  	[timem:s3], [sflag:s2] =	dma.local @!p0 [hbm:s0], s1  }
0x48: {  	s0 =	simm.s32 @!p0 $0x1  }
0x49: {  	_ =	swait.ge @!p0 [sflag:s0], s1  }
0x4a: {  	s1 =	ssub.s32 @!p0 $0x0, s1;
	[sflag:s0] =	ssyncset.done @!p0 $0x0  }
0x4b: {  	[sflag:s0] =	ssyncadd.s32 @!p0 s1  }
0x4c: {  	[bflag:$0x3] =	sbarrier.arrive $0xFFFF  }
0x4d: {  	_ =	shalt  }

</sc_bundles>
